<compile_context>
chip_gen: v7x
topology: tpu7x:2x2x1
jax: 0.10.2.dev20260603
libtpu: 0.0.44.dev20260713+nightly
codegen_flags: <defaults>
</compile_context>

<pallas_src>
import functools

import jax
import jax.numpy as jnp
from jax.experimental import pallas as pl
from jax.experimental.pallas import tpu as pltpu
from jax.experimental.pallas import tpu_sc as plsc

DIM = 384
HEADS = 12
DH = DIM // HEADS
WS = (4, 4, 4)
TOPK = 4
NW = 512
W3L = WS[0] * WS[1] * WS[2]
W3 = W3L + TOPK
W3P = 72
NG = 512
G = 16

_NEG = -1e30


def _ln(x, g, b):
    m = x.mean(-1, keepdims=True)
    v = ((x - m) ** 2).mean(-1, keepdims=True)
    return (x - m) / jnp.sqrt(v + 1e-6) * g + b


def _gelu(x):
    return x * 0.5 * (1.0 + jax.lax.erf(x * (2.0 ** -0.5)))


def _global_kernel(xg_ref, lng_ref, lnb_ref, qkvw_ref, qkvb_ref, projw_ref,
                   projb_ref, m1w1_ref, m1b1_ref, m1w2_ref, m1b2_ref,
                   rqw_ref, rqb_ref, rkw_ref, rkb_ref,
                   xg2_ref, idx_ref):
    x = xg_ref[:]
    g = lng_ref[:]
    b = lnb_ref[:]
    xn = _ln(x, g, b)
    qkv = xn @ qkvw_ref[:] + qkvb_ref[:]
    q = qkv[:, :DIM].reshape(NG, HEADS, DH)
    k = qkv[:, DIM:2 * DIM].reshape(NG, HEADS, DH)
    v = qkv[:, 2 * DIM:].reshape(NG, HEADS, DH)
    dn = (((2,), (2,)), ((1,), (1,)))
    scores = jax.lax.dot_general(q, k, dn,
                                 preferred_element_type=jnp.float32)
    scores = scores * (DH ** -0.5)
    aw = jax.nn.softmax(scores, axis=-1)
    dn2 = (((2,), (0,)), ((0,), (1,)))
    o = jax.lax.dot_general(aw, v, dn2,
                            preferred_element_type=jnp.float32)
    o = o.transpose(1, 0, 2).reshape(NG, DIM)
    x1 = o @ projw_ref[:] + projb_ref[:] + x
    x1n = _ln(x1, g, b)
    h = _gelu(x1n @ m1w1_ref[:] + m1b1_ref[:])
    x2 = x1 + h @ m1w2_ref[:] + m1b2_ref[:]
    xg2_ref[:] = x2

    qh = x2 @ rqw_ref[:] + rqb_ref[:]
    kh = x2 @ rkw_ref[:] + rkb_ref[:]
    logits = jax.lax.dot_general(qh, kh, (((1,), (1,)), ((), ())),
                                 preferred_element_type=jnp.float32)
    cols = jax.lax.broadcasted_iota(jnp.int32, (NW, NG), 1)
    l = logits
    for t in range(TOPK):
        m = jnp.max(l, axis=1, keepdims=True)
        is_max = l >= m
        idx = jnp.min(jnp.where(is_max, cols, NG), axis=1, keepdims=True)
        l = jnp.where(cols == idx, _NEG, l)
        idx_ref[t] = idx[:, 0]


def _window_kernel(sl_ref, sg_ref, lng_ref, lnb_ref, qkvw_ref, qkvb_ref,
                   wow_ref, wob_ref, m2w1_ref, m2b1_ref, m2w2_ref, m2b2_ref,
                   out_ref):
    bf = jnp.bfloat16
    f32 = jnp.float32
    g = lng_ref[:]
    b = lnb_ref[:]
    xb = sl_ref[0].reshape(4, 2, 4, 8, 4, DIM)
    sl = xb.transpose(1, 3, 0, 2, 4, 5).reshape(G, W3L, DIM).astype(f32)
    sg = sg_ref[:].transpose(1, 0, 2)
    pad = jnp.zeros((G, W3P - W3, DIM), f32)
    sc = jnp.concatenate([sl, sg, pad], axis=1)
    scn = _ln(sc, g, b).astype(bf)
    qkv = jax.lax.dot_general(scn.reshape(G * W3P, DIM), qkvw_ref[:],
                              (((1,), (0,)), ((), ())),
                              preferred_element_type=f32) + qkvb_ref[:]
    qkv3 = qkv.astype(bf).reshape(G, W3P, 3 * DIM)
    q3 = qkv3[:, :, :DIM]
    k3 = qkv3[:, :, DIM:2 * DIM]
    v3 = qkv3[:, :, 2 * DIM:]
    R = HEADS * W3P
    hh = jax.lax.broadcasted_iota(jnp.int32, (HEADS, W3P, DIM), 0)
    jj = jax.lax.broadcasted_iota(jnp.int32, (HEADS, W3P, DIM), 1)
    cc = jax.lax.broadcasted_iota(jnp.int32, (HEADS, W3P, DIM), 2) // DH
    sel = ((hh == cc) & (jj < W3)).astype(bf)
    kblk = (k3[:, None, :, :] * sel[None]).reshape(G, R, DIM)
    vblk = (v3[:, None, :, :] * sel[None]).reshape(G, R, DIM)
    hh2 = jax.lax.broadcasted_iota(jnp.int32, (R, HEADS), 0) // W3P
    jj2 = jax.lax.broadcasted_iota(jnp.int32, (R, HEADS), 0) % W3P
    cc2 = jax.lax.broadcasted_iota(jnp.int32, (R, HEADS), 1)
    seg = ((hh2 == cc2) & (jj2 < W3)).astype(bf)
    seg3 = jnp.broadcast_to(seg[None], (G, R, HEADS))
    vcat = jnp.concatenate([vblk, seg3], axis=2)
    s3 = jax.lax.dot_general(q3, kblk, (((2,), (2,)), ((0,), (0,))),
                             preferred_element_type=f32)
    es = jnp.exp(s3.astype(bf))
    ocat = jax.lax.dot_general(es, vcat, (((2,), (1,)), ((0,), (0,))),
                               preferred_element_type=f32)
    o_pre = ocat[:, :W3L, :DIM].reshape(G * W3L, DIM)
    rec = (1.0 / ocat[:, :W3L, DIM:DIM + HEADS]).astype(bf)
    hx = jax.lax.broadcasted_iota(jnp.int32, (HEADS, DIM), 0)
    cx = jax.lax.broadcasted_iota(jnp.int32, (HEADS, DIM), 1) // DH
    expand = (hx == cx).astype(bf)
    recb = jax.lax.dot_general(rec.reshape(G * W3L, HEADS), expand,
                               (((1,), (0,)), ((), ())),
                               preferred_element_type=f32)
    out64 = (o_pre * recb).astype(bf)
    l1 = (jax.lax.dot_general(out64, wow_ref[:], (((1,), (0,)), ((), ())),
                              preferred_element_type=f32)
          + wob_ref[:] + sl.reshape(G * W3L, DIM))
    l1n = _ln(l1, g, b).astype(bf)
    h = _gelu(jax.lax.dot_general(l1n, m2w1_ref[:], (((1,), (0,)), ((), ())),
                                  preferred_element_type=f32) + m2b1_ref[:])
    l2 = l1 + jax.lax.dot_general(h.astype(bf), m2w2_ref[:],
                                  (((1,), (0,)), ((), ())),
                                  preferred_element_type=f32) + m2b2_ref[:]
    lw = l2.astype(bf).reshape(2, 8, 4, 4, 4, DIM).transpose(2, 0, 3, 1, 4, 5)
    out_ref[:] = lw.reshape(1, 4, 8, 32, DIM)


def _row(p):
    return p.reshape(1, -1)


def _sc_gather(table, idx_flat):
    mesh = plsc.VectorSubcoreMesh(core_axis_name="c", subcore_axis_name="s")
    ncores, nsub = 2, 16
    nworkers = ncores * nsub
    bpw = (TOPK * NW) // nworkers

    @functools.partial(
        pl.kernel, mesh=mesh,
        out_type=jax.ShapeDtypeStruct((TOPK * NW, DIM), jnp.float32),
        scratch_types=[
            pltpu.VMEM((bpw,), jnp.int32),
            pltpu.VMEM((bpw, DIM), jnp.float32),
            pltpu.SemaphoreType.DMA,
        ],
    )
    def k(table_hbm, idx_hbm, out_hbm, idx_v, rows_v, sem):
        wid = jax.lax.axis_index("s") * ncores + jax.lax.axis_index("c")
        base = wid * bpw
        pltpu.sync_copy(idx_hbm.at[pl.ds(base, bpw)], idx_v)
        pltpu.async_copy(table_hbm.at[idx_v], rows_v, sem).wait()
        pltpu.sync_copy(rows_v, out_hbm.at[pl.ds(base, bpw)])

    return k(table, idx_flat)


@functools.partial(jax.jit, static_argnames=())
def kernel(x_in, x_g_in, params):
    p = params
    bsz, C, s, h, w = x_in.shape
    gs = x_g_in.shape[2]

    xt = x_in.astype(jnp.bfloat16).transpose(0, 2, 3, 4, 1)
    xg = x_g_in.transpose(0, 2, 3, 4, 1).reshape(NG, C)

    xg2, r_idx = pl.pallas_call(
        _global_kernel,
        out_shape=(
            jax.ShapeDtypeStruct((NG, C), jnp.float32),
            jax.ShapeDtypeStruct((TOPK, NW), jnp.int32),
        ),
    )(xg, _row(p['ln_g']), _row(p['ln_b']),
      p['attn_qkv_w'], _row(p['attn_qkv_b']),
      p['attn_proj_w'], _row(p['attn_proj_b']),
      p['mlp1_w1'], _row(p['mlp1_b1']), p['mlp1_w2'], _row(p['mlp1_b2']),
      p['rq_w'], _row(p['rq_b']), p['rk_w'], _row(p['rk_b']))
    sg = _sc_gather(xg2, r_idx.reshape(TOPK * NW)).reshape(TOPK, NW, C)

    qscale = jnp.concatenate([jnp.full((C,), C ** -0.5, jnp.float32),
                              jnp.ones((2 * C,), jnp.float32)])
    gqkv_w = p['gqkv_w'] * qscale[None, :]
    gqkv_b = p['gqkv_b'] * qscale
    nsteps = NW // G
    const = lambda shape: pl.BlockSpec(shape, lambda i: tuple(0 for _ in shape))
    l_win = pl.pallas_call(
        _window_kernel,
        grid=(nsteps,),
        in_specs=[
            pl.BlockSpec((1, 4, 8, 32, C), lambda i: (0, i // 4, i % 4, 0, 0)),
            pl.BlockSpec((TOPK, G, C), lambda i: (0, i, 0)),
            const((1, C)), const((1, C)),
            const((C, 3 * C)), const((1, 3 * C)),
            const((C, C)), const((1, C)),
            const((C, 4 * C)), const((1, 4 * C)),
            const((4 * C, C)), const((1, C)),
        ],
        out_specs=pl.BlockSpec((1, 4, 8, 32, C),
                               lambda i: (0, i // 4, i % 4, 0, 0)),
        out_shape=jax.ShapeDtypeStruct((bsz, s, h, w, C), jnp.bfloat16),
    )(xt, sg, _row(p['ln_g']), _row(p['ln_b']),
      gqkv_w.astype(jnp.bfloat16), _row(gqkv_b),
      p['wo_w'].astype(jnp.bfloat16), _row(p['wo_b']),
      p['mlp2_w1'].astype(jnp.bfloat16), _row(p['mlp2_b1']),
      p['mlp2_w2'].astype(jnp.bfloat16), _row(p['mlp2_b2']))

    l_out = l_win.transpose(0, 4, 1, 2, 3).astype(jnp.float32)
    g_out = xg2.reshape(bsz, gs, gs, gs, C).transpose(0, 4, 1, 2, 3)
    return l_out, g_out

# --- scband reference (transcript-rebuilt; emitter-appended) ---
"""Pipeline reference for scband-decoder-conv-atten-block-16569983828336 (READ-ONLY COPY).

The authoritative reference and input builder live on the scoring server;
editing this copy changes nothing except your own understanding.
"""

import jax, jax.numpy as jnp
import numpy as np

DIM = 384
HEADS = 12
WS = (4, 4, 4)
TOPK = 4
B = 1
S = 32
GS = 8


def _ln(x, g, b):
    m = x.mean(-1, keepdims=True)
    v = ((x - m) ** 2).mean(-1, keepdims=True)
    return (x - m) / jnp.sqrt(v + 1e-6) * g + b


def _mlp(x, w1, b1, w2, b2):
    return jax.nn.gelu(x @ w1 + b1, approximate=False) @ w2 + b2


def _atten(x, p):
    B_, N, C = x.shape
    h = HEADS
    dh = C // h
    qkv = (x @ p['attn_qkv_w'] + p['attn_qkv_b']).reshape(B_, N, 3, h, dh).transpose(2, 0, 3, 1, 4)
    q, k, v = qkv[0], qkv[1], qkv[2]
    a = jax.nn.softmax((q @ jnp.swapaxes(k, -2, -1)) * (dh ** -0.5), -1)
    o = (a @ v).transpose(0, 2, 1, 3).reshape(B_, N, C)
    return o @ p['attn_proj_w'] + p['attn_proj_b']


def _win_part(x, ws):
    b, s, h, w, c = x.shape
    p1, p2, p3 = s // ws[0], h // ws[1], w // ws[2]
    x = x.reshape(b, p1, ws[0], p2, ws[1], p3, ws[2], c).transpose(0, 1, 3, 5, 2, 4, 6, 7)
    return x.reshape(b, p1 * p2 * p3, ws[0], ws[1], ws[2], c)


def _win_rev(x, ws, s, h, w):
    b, nw, w3, c = x.shape
    p1, p2, p3 = s // ws[0], h // ws[1], w // ws[2]
    x = x.reshape(b, p1, p2, p3, ws[0], ws[1], ws[2], c).transpose(0, 1, 4, 2, 5, 3, 6, 7)
    return x.reshape(b, s, h, w, c)


def _forward(x_in, x_g_in, p):
    C = DIM
    scale = C ** -0.5
    b = x_in.shape[0]
    s, h, w = x_in.shape[2], x_in.shape[3], x_in.shape[4]
    # shapes divide window_size exactly -> pads are zero
    sx = _win_part(x_in.transpose(0, 2, 3, 4, 1), WS)  # [b, nw, Ms, Mh, Mw, C]
    nw = sx.shape[1]
    gs, gh, gw = x_g_in.shape[2], x_g_in.shape[3], x_g_in.shape[4]
    xg = x_g_in.transpose(0, 2, 3, 4, 1).reshape(b, gs * gh * gw, C)
    xg = _atten(_ln(xg, p['ln_g'], p['ln_b']), p) + xg
    xg = xg.reshape(b, gs, gh, gw, C)
    xg = xg + _mlp(_ln(xg, p['ln_g'], p['ln_b']), p['mlp1_w1'], p['mlp1_b1'], p['mlp1_w2'], p['mlp1_b2'])
    gws = (gs // (s // WS[0]), gh // (h // WS[1]), gw // (w // WS[2]))
    sxg = _win_part(xg, gws)  # [b, nw, gMs, gMh, gMw, C]
    g_win = sxg.mean((2, 3, 4))  # [b, nw, C]
    qh = g_win @ p['rq_w'] + p['rq_b']
    kh = g_win @ p['rk_w'] + p['rk_b']
    logits = (qh * scale) @ jnp.swapaxes(kh, -2, -1)
    topv, r_idx = jax.lax.top_k(logits, TOPK)
    r_weight = jax.nn.softmax(topv, -1)  # computed but unused, matches torch forward
    w3g = gws[0] * gws[1] * gws[2]
    g_pix = sxg.reshape(b, nw, w3g, C)
    topk_qkv = g_pix[jnp.arange(b)[:, None, None], r_idx]  # [b, nw, k, w3g, C]
    w3l = WS[0] * WS[1] * WS[2]
    sl = sx.reshape(b, nw, w3l, C)
    sg = topk_qkv.reshape(b, nw, TOPK * w3g, C)
    sc = jnp.concatenate([sl, sg], axis=2)
    qkv = _ln(sc, p['ln_g'], p['ln_b']) @ p['gqkv_w'] + p['gqkv_b']
    q, k, v = jnp.split(qkv, 3, axis=-1)
    w3 = sc.shape[2]
    dh = C // HEADS

    def heads(t):
        return t.reshape(b * nw, w3, HEADS, dh).transpose(0, 2, 1, 3)

    q, k, v = heads(q), heads(k), heads(v)
    aw = jax.nn.softmax((q * scale) @ jnp.swapaxes(k, -2, -1), -1)
    out = (aw @ v).transpose(0, 2, 1, 3).reshape(b, nw, w3, C)
    l = out[:, :, :w3l, :] @ p['wo_w'] + p['wo_b']
    l = l + sl
    l = _win_rev(l, WS, s, h, w)
    l = l + _mlp(_ln(l, p['ln_g'], p['ln_b']), p['mlp2_w1'], p['mlp2_b1'], p['mlp2_w2'], p['mlp2_b2'])
    g_out = xg.transpose(0, 4, 1, 2, 3)
    l_out = l.transpose(0, 4, 1, 2, 3)
    return l_out, g_out


def setup_inputs(seed: int = 0) -> dict:
    key = jax.random.key(seed)
    ks = jax.random.split(key, 16)
    C = DIM

    def nrm(k, shape):
        return jax.random.normal(k, shape, jnp.float32) * 0.02

    params = {
        'ln_g': jnp.ones((C,), jnp.float32),
        'ln_b': jnp.zeros((C,), jnp.float32),
        'attn_qkv_w': nrm(ks[0], (C, 3 * C)),
        'attn_qkv_b': jnp.zeros((3 * C,), jnp.float32),
        'attn_proj_w': nrm(ks[1], (C, C)),
        'attn_proj_b': jnp.zeros((C,), jnp.float32),
        'rq_w': nrm(ks[2], (C, C)),
        'rq_b': jnp.zeros((C,), jnp.float32),
        'rk_w': nrm(ks[3], (C, C)),
        'rk_b': jnp.zeros((C,), jnp.float32),
        'gqkv_w': nrm(ks[4], (C, 3 * C)),
        'gqkv_b': jnp.zeros((3 * C,), jnp.float32),
        'wo_w': nrm(ks[5], (C, C)),
        'wo_b': jnp.zeros((C,), jnp.float32),
        'mlp1_w1': nrm(ks[6], (C, 4 * C)),
        'mlp1_b1': jnp.zeros((4 * C,), jnp.float32),
        'mlp1_w2': nrm(ks[7], (4 * C, C)),
        'mlp1_b2': jnp.zeros((C,), jnp.float32),
        'mlp2_w1': nrm(ks[8], (C, 4 * C)),
        'mlp2_b1': jnp.zeros((4 * C,), jnp.float32),
        'mlp2_w2': nrm(ks[9], (4 * C, C)),
        'mlp2_b2': jnp.zeros((C,), jnp.float32),
    }
    x_in = jax.random.normal(ks[10], (B, DIM, S, S, S), jnp.float32)
    x_g_in = jax.random.normal(ks[11], (B, DIM, GS, GS, GS), jnp.float32)
    return {'x_in': x_in, 'x_g_in': x_g_in, 'params': params}


def reference(x_in, x_g_in, params):
    return _forward(x_in, x_g_in, params)

if __name__ == "__main__":
    import jax
    _d = setup_inputs()
    print(jax.jit(kernel)(*tuple(_d.values())))

</pallas_src>

<mosaic_0001>
#map = affine_map<(d0, d1) -> (0, 0)>
#map1 = affine_map<(d0, d1) -> (0)>
module attributes {stable_mosaic.version = 14 : i64} {
  func.func @k(%arg0: i32, %arg1: i32, %arg2: memref<512x384xf32, #tpu.memory_space<hbm>>, %arg3: memref<2048xi32, #tpu.memory_space<hbm>>, %arg4: memref<2048x384xf32, #tpu.memory_space<hbm>>, %arg5: memref<64xi32, #tpu.memory_space<vmem>>, %arg6: memref<64x384xf32, #tpu.memory_space<vmem>>, %arg7: memref<!tpu.dma_semaphore, #tpu.memory_space<semaphore_mem>>) attributes {dimension_semantics = [#tpu.dimension_semantics<core_parallel>, #tpu.dimension_semantics<subcore_parallel>], iteration_bounds = array<i64: 2, 16>, scalar_prefetch = 0 : i64, scratch_operands = 3 : i64, tpu.core_type = #tpu.core_type<sc_vector_subcore>, window_params = [{transform_indices = #map}, {transform_indices = #map1}, {transform_indices = #map}]} {
    %mul3A = arith.constant 2 : i32
    %mul3A_0 = arith.muli %arg1, %mul3A : i32
    %add3A = arith.addi %mul3A_0, %arg0 : i32
    %mul3A_1 = arith.constant 64 : i32
    %mul3A_2 = arith.muli %add3A, %mul3A_1 : i32
    "tpu.region"() ({
      %run_scoped3A = tpu.sem_alloc : memref<!tpu.dma_semaphore, #tpu.memory_space<semaphore_mem>>
      %dma_start3A_7 = tpu.memref_slice %arg3[%mul3A_2] : memref<2048xi32, #tpu.memory_space<hbm>> -> memref<64xi32, #tpu.memory_space<hbm>>
      %dma_start3A_8 = tpu.memref_slice %arg3[%mul3A_2] : memref<2048xi32, #tpu.memory_space<hbm>> -> memref<64xi32, #tpu.memory_space<hbm>>
      tpu.enqueue_dma source(%dma_start3A_8 : memref<64xi32, #tpu.memory_space<hbm>>) target(%arg5 : memref<64xi32, #tpu.memory_space<vmem>>) target_semaphore(%run_scoped3A : memref<!tpu.dma_semaphore, #tpu.memory_space<semaphore_mem>>)
      %dma_wait3A_9 = tpu.memref_slice %arg3[%mul3A_2] : memref<2048xi32, #tpu.memory_space<hbm>> -> memref<64xi32, #tpu.memory_space<hbm>>
      %dma_wait3A_10 = tpu.memref_slice %arg3[%mul3A_2] : memref<2048xi32, #tpu.memory_space<hbm>> -> memref<64xi32, #tpu.memory_space<hbm>>
      tpu.wait_dma2 semaphore(%run_scoped3A : memref<!tpu.dma_semaphore, #tpu.memory_space<semaphore_mem>>) src(%dma_wait3A_10 : memref<64xi32, #tpu.memory_space<hbm>>) dst(%arg5 : memref<64xi32, #tpu.memory_space<vmem>>)
      tpu.yield
    }) : () -> ()
    %dma_start3A = arith.constant 0 : i32
    %dma_start3A_3 = arith.constant 0 : i32
    %dma_start3A_4 = tpu.memref_slice %arg2[%dma_start3A, %dma_start3A_3] : memref<512x384xf32, #tpu.memory_space<hbm>> -> memref<512x384xf32, #tpu.memory_space<hbm>>
    tpu.enqueue_indirect_dma source(%dma_start3A_4 : memref<512x384xf32, #tpu.memory_space<hbm>>) target(%arg6 : memref<64x384xf32, #tpu.memory_space<vmem>>) offsets(%arg5 : memref<64xi32, #tpu.memory_space<vmem>>) semaphore(%arg7 : memref<!tpu.dma_semaphore, #tpu.memory_space<semaphore_mem>>)
    %dma_wait3A = arith.constant 0 : i32
    %dma_wait3A_5 = arith.constant 0 : i32
    %dma_wait3A_6 = tpu.memref_slice %arg2[%dma_wait3A, %dma_wait3A_5] : memref<512x384xf32, #tpu.memory_space<hbm>> -> memref<512x384xf32, #tpu.memory_space<hbm>>
    tpu.wait_indirect_dma semaphore(%arg7 : memref<!tpu.dma_semaphore, #tpu.memory_space<semaphore_mem>>) src(%dma_wait3A_6 : memref<512x384xf32, #tpu.memory_space<hbm>>) dst(%arg6 : memref<64x384xf32, #tpu.memory_space<vmem>>)
    "tpu.region"() ({
      %run_scoped3A = tpu.sem_alloc : memref<!tpu.dma_semaphore, #tpu.memory_space<semaphore_mem>>
      %dma_start3A_7 = arith.constant 0 : i32
      %dma_start3A_8 = tpu.memref_slice %arg4[%mul3A_2, %dma_start3A_7] : memref<2048x384xf32, #tpu.memory_space<hbm>> -> memref<64x384xf32, #tpu.memory_space<hbm>>
      %dma_start3A_9 = arith.constant 0 : i32
      %dma_start3A_10 = tpu.memref_slice %arg4[%mul3A_2, %dma_start3A_9] : memref<2048x384xf32, #tpu.memory_space<hbm>> -> memref<64x384xf32, #tpu.memory_space<hbm>>
      tpu.enqueue_dma source(%arg6 : memref<64x384xf32, #tpu.memory_space<vmem>>) target(%dma_start3A_10 : memref<64x384xf32, #tpu.memory_space<hbm>>) target_semaphore(%run_scoped3A : memref<!tpu.dma_semaphore, #tpu.memory_space<semaphore_mem>>)
      %dma_wait3A_11 = arith.constant 0 : i32
      %dma_wait3A_12 = tpu.memref_slice %arg4[%mul3A_2, %dma_wait3A_11] : memref<2048x384xf32, #tpu.memory_space<hbm>> -> memref<64x384xf32, #tpu.memory_space<hbm>>
      %dma_wait3A_13 = arith.constant 0 : i32
      %dma_wait3A_14 = tpu.memref_slice %arg4[%mul3A_2, %dma_wait3A_13] : memref<2048x384xf32, #tpu.memory_space<hbm>> -> memref<64x384xf32, #tpu.memory_space<hbm>>
      tpu.wait_dma2 semaphore(%run_scoped3A : memref<!tpu.dma_semaphore, #tpu.memory_space<semaphore_mem>>) src(%arg6 : memref<64x384xf32, #tpu.memory_space<vmem>>) dst(%dma_wait3A_14 : memref<64x384xf32, #tpu.memory_space<hbm>>)
      tpu.yield
    }) : () -> ()
    return
  }
}

module attributes {stable_mosaic.version = 14 : i64} {
  func.func @_global_kernel(%arg0: memref<512x384xf32, #tpu.memory_space<vmem>>, %arg1: memref<1x384xf32, #tpu.memory_space<vmem>>, %arg2: memref<1x384xf32, #tpu.memory_space<vmem>>, %arg3: memref<384x1152xf32, #tpu.memory_space<vmem>>, %arg4: memref<1x1152xf32, #tpu.memory_space<vmem>>, %arg5: memref<384x384xf32, #tpu.memory_space<vmem>>, %arg6: memref<1x384xf32, #tpu.memory_space<vmem>>, %arg7: memref<384x1536xf32, #tpu.memory_space<vmem>>, %arg8: memref<1x1536xf32, #tpu.memory_space<vmem>>, %arg9: memref<1536x384xf32, #tpu.memory_space<vmem>>, %arg10: memref<1x384xf32, #tpu.memory_space<vmem>>, %arg11: memref<384x384xf32, #tpu.memory_space<vmem>>, %arg12: memref<1x384xf32, #tpu.memory_space<vmem>>, %arg13: memref<384x384xf32, #tpu.memory_space<vmem>>, %arg14: memref<1x384xf32, #tpu.memory_space<vmem>>, %arg15: memref<512x384xf32, #tpu.memory_space<vmem>>, %arg16: memref<4x512xi32, #tpu.memory_space<vmem>>) attributes {dimension_semantics = [], scalar_prefetch = 0 : i64, scratch_operands = 0 : i64, tpu.core_type = #tpu.core_type<tc>} {
    %get3A = arith.constant 0 : index
    %get3A_0 = arith.constant 0 : index
    %get3A_1 = vector.load %arg0[%get3A, %get3A_0] : memref<512x384xf32, #tpu.memory_space<vmem>>, vector<512x384xf32>
    %get3A_2 = arith.constant 0 : index
    %get3A_3 = arith.constant 0 : index
    %get3A_4 = vector.load %arg1[%get3A_2, %get3A_3] : memref<1x384xf32, #tpu.memory_space<vmem>>, vector<1x384xf32>
    %get3A_5 = arith.constant 0 : index
    %get3A_6 = arith.constant 0 : index
    %get3A_7 = vector.load %arg2[%get3A_5, %get3A_6] : memref<1x384xf32, #tpu.memory_space<vmem>>, vector<1x384xf32>
    %reduce_sum3A = arith.constant dense<0.000000e+00> : vector<512xf32>
    %reduce_sum3A_8 = vector.multi_reduction <add>, %get3A_1, %reduce_sum3A [1] : vector<512x384xf32> to vector<512xf32>
    %broadcast_in_dim3A = vector.shape_cast %reduce_sum3A_8 : vector<512xf32> to vector<512x1xf32>
    %div3A = arith.constant 3.840000e+02 : f32
    %div3A_9 = vector.broadcast %div3A : f32 to vector<512x1xf32>
    %div3A_10 = arith.divf %broadcast_in_dim3A, %div3A_9 : vector<512x1xf32>
    %sub3A = vector.broadcast %div3A_10 : vector<512x1xf32> to vector<512x384xf32>
    %sub3A_11 = arith.subf %get3A_1, %sub3A : vector<512x384xf32>
    %integer_pow3A = arith.mulf %sub3A_11, %sub3A_11 : vector<512x384xf32>
    %reduce_sum3A_12 = arith.constant dense<0.000000e+00> : vector<512xf32>
    %reduce_sum3A_13 = vector.multi_reduction <add>, %integer_pow3A, %reduce_sum3A_12 [1] : vector<512x384xf32> to vector<512xf32>
    %broadcast_in_dim3A_14 = vector.shape_cast %reduce_sum3A_13 : vector<512xf32> to vector<512x1xf32>
    %div3A_15 = arith.constant 3.840000e+02 : f32
    %div3A_16 = vector.broadcast %div3A_15 : f32 to vector<512x1xf32>
    %div3A_17 = arith.divf %broadcast_in_dim3A_14, %div3A_16 : vector<512x1xf32>
    %sub3A_18 = vector.broadcast %div3A_10 : vector<512x1xf32> to vector<512x384xf32>
    %sub3A_19 = arith.subf %get3A_1, %sub3A_18 : vector<512x384xf32>
    %add3A = arith.constant 9.99999997E-7 : f32
    %add3A_20 = vector.broadcast %add3A : f32 to vector<512x1xf32>
    %add3A_21 = arith.addf %div3A_17, %add3A_20 : vector<512x1xf32>
    %sqrt3A = math.sqrt %add3A_21 : vector<512x1xf32>
    %div3A_22 = vector.broadcast %sqrt3A : vector<512x1xf32> to vector<512x384xf32>
    %div3A_23 = arith.divf %sub3A_19, %div3A_22 : vector<512x384xf32>
    %mul3A = vector.broadcast %get3A_4 : vector<1x384xf32> to vector<512x384xf32>
    %mul3A_24 = arith.mulf %div3A_23, %mul3A : vector<512x384xf32>
    %add3A_25 = vector.broadcast %get3A_7 : vector<1x384xf32> to vector<512x384xf32>
    %add3A_26 = arith.addf %mul3A_24, %add3A_25 : vector<512x384xf32>
    %get3A_27 = arith.constant 0 : index
    %get3A_28 = arith.constant 0 : index
    %get3A_29 = vector.load %arg3[%get3A_27, %get3A_28] : memref<384x1152xf32, #tpu.memory_space<vmem>>, vector<384x1152xf32>
    %dot_general3A = arith.constant dense<0.000000e+00> : vector<512x1152xf32>
    %dot_general3A_30 = tpu.matmul %add3A_26, %get3A_29, %dot_general3A {dimension_numbers = #tpu.dot_dimension_numbers<[1], [0], [0], [1], [0, 0, 1, 1], [], []>, transpose_lhs_hint = false} : vector<512x384xf32>, vector<384x1152xf32>, vector<512x1152xf32> -> vector<512x1152xf32>
    %get3A_31 = arith.constant 0 : index
    %get3A_32 = arith.constant 0 : index
    %get3A_33 = vector.load %arg4[%get3A_31, %get3A_32] : memref<1x1152xf32, #tpu.memory_space<vmem>>, vector<1x1152xf32>
    %add3A_34 = vector.broadcast %get3A_33 : vector<1x1152xf32> to vector<512x1152xf32>
    %add3A_35 = arith.addf %dot_general3A_30, %add3A_34 : vector<512x1152xf32>
    %slice3A = vector.extract_strided_slice %add3A_35 {offsets = [0, 0], sizes = [512, 384], strides = [1, 1]} : vector<512x1152xf32> to vector<512x384xf32>
    %reshape3A = vector.shape_cast %slice3A : vector<512x384xf32> to vector<512x12x32xf32>
    %slice3A_36 = vector.extract_strided_slice %add3A_35 {offsets = [0, 384], sizes = [512, 384], strides = [1, 1]} : vector<512x1152xf32> to vector<512x384xf32>
    %reshape3A_37 = vector.shape_cast %slice3A_36 : vector<512x384xf32> to vector<512x12x32xf32>
    %slice3A_38 = vector.extract_strided_slice %add3A_35 {offsets = [0, 768], sizes = [512, 384], strides = [1, 1]} : vector<512x1152xf32> to vector<512x384xf32>
    %reshape3A_39 = vector.shape_cast %slice3A_38 : vector<512x384xf32> to vector<512x12x32xf32>
    %dot_general3A_40 = arith.constant dense<0.000000e+00> : vector<12x512x512xf32>
    %dot_general3A_41 = tpu.matmul %reshape3A, %reshape3A_37, %dot_general3A_40 {dimension_numbers = #tpu.dot_dimension_numbers<[2], [2], [0], [0], [0, 1, 0, 0, 1, 0], [1], [1]>, transpose_lhs_hint = false} : vector<512x12x32xf32>, vector<512x12x32xf32>, vector<12x512x512xf32> -> vector<12x512x512xf32>
    %mul3A_42 = arith.constant 0.176776692 : f32
    %mul3A_43 = vector.broadcast %mul3A_42 : f32 to vector<12x512x512xf32>
    %mul3A_44 = arith.mulf %dot_general3A_41, %mul3A_43 : vector<12x512x512xf32>
    %reduce_max3A = arith.constant dense<0xFF800000> : vector<12x512xf32>
    %reduce_max3A_45 = vector.multi_reduction <maximumf>, %mul3A_44, %reduce_max3A [2] : vector<12x512x512xf32> to vector<12x512xf32>
    %max3A = arith.constant 0xFF800000 : f32
    %max3A_46 = vector.broadcast %max3A : f32 to vector<12x512xf32>
    %max3A_47 = arith.maximumf %max3A_46, %reduce_max3A_45 : vector<12x512xf32>
    %broadcast_in_dim3A_48 = vector.shape_cast %max3A_47 : vector<12x512xf32> to vector<12x512x1xf32>
    %sub3A_49 = vector.broadcast %broadcast_in_dim3A_48 : vector<12x512x1xf32> to vector<12x512x512xf32>
    %sub3A_50 = arith.subf %mul3A_44, %sub3A_49 : vector<12x512x512xf32>
    %exp3A = math.exp %sub3A_50 : vector<12x512x512xf32>
    %reduce_sum3A_51 = arith.constant dense<0.000000e+00> : vector<12x512xf32>
    %reduce_sum3A_52 = vector.multi_reduction <add>, %exp3A, %reduce_sum3A_51 [2] : vector<12x512x512xf32> to vector<12x512xf32>
    %broadcast_in_dim3A_53 = vector.shape_cast %reduce_sum3A_52 : vector<12x512xf32> to vector<12x512x1xf32>
    %div3A_54 = vector.broadcast %broadcast_in_dim3A_53 : vector<12x512x1xf32> to vector<12x512x512xf32>
    %div3A_55 = arith.divf %exp3A, %div3A_54 : vector<12x512x512xf32>
    %dot_general3A_56 = arith.constant dense<0.000000e+00> : vector<12x512x32xf32>
    %dot_general3A_57 = tpu.matmul %div3A_55, %reshape3A_39, %dot_general3A_56 {dimension_numbers = #tpu.dot_dimension_numbers<[2], [0], [1], [2], [0, 0, 0, 1, 1, 2], [0], [1]>, transpose_lhs_hint = false} : vector<12x512x512xf32>, vector<512x12x32xf32>, vector<12x512x32xf32> -> vector<12x512x32xf32>
    %transpose3A = tpu.transpose %dot_general3A_57, [1, 0, 2] : vector<12x512x32xf32> -> vector<512x12x32xf32>
    %reshape3A_58 = vector.shape_cast %transpose3A : vector<512x12x32xf32> to vector<512x384xf32>
    %get3A_59 = arith.constant 0 : index
    %get3A_60 = arith.constant 0 : index
    %get3A_61 = vector.load %arg5[%get3A_59, %get3A_60] : memref<384x384xf32, #tpu.memory_space<vmem>>, vector<384x384xf32>
    %dot_general3A_62 = arith.constant dense<0.000000e+00> : vector<512x384xf32>
    %dot_general3A_63 = tpu.matmul %reshape3A_58, %get3A_61, %dot_general3A_62 {dimension_numbers = #tpu.dot_dimension_numbers<[1], [0], [0], [1], [0, 0, 1, 1], [], []>, transpose_lhs_hint = false} : vector<512x384xf32>, vector<384x384xf32>, vector<512x384xf32> -> vector<512x384xf32>
    %get3A_64 = arith.constant 0 : index
    %get3A_65 = arith.constant 0 : index
    %get3A_66 = vector.load %arg6[%get3A_64, %get3A_65] : memref<1x384xf32, #tpu.memory_space<vmem>>, vector<1x384xf32>
    %add3A_67 = vector.broadcast %get3A_66 : vector<1x384xf32> to vector<512x384xf32>
    %add3A_68 = arith.addf %dot_general3A_63, %add3A_67 : vector<512x384xf32>
    %add3A_69 = arith.addf %add3A_68, %get3A_1 : vector<512x384xf32>
    %reduce_sum3A_70 = arith.constant dense<0.000000e+00> : vector<512xf32>
    %reduce_sum3A_71 = vector.multi_reduction <add>, %add3A_69, %reduce_sum3A_70 [1] : vector<512x384xf32> to vector<512xf32>
    %broadcast_in_dim3A_72 = vector.shape_cast %reduce_sum3A_71 : vector<512xf32> to vector<512x1xf32>
    %div3A_73 = arith.constant 3.840000e+02 : f32
    %div3A_74 = vector.broadcast %div3A_73 : f32 to vector<512x1xf32>
    %div3A_75 = arith.divf %broadcast_in_dim3A_72, %div3A_74 : vector<512x1xf32>
    %sub3A_76 = vector.broadcast %div3A_75 : vector<512x1xf32> to vector<512x384xf32>
    %sub3A_77 = arith.subf %add3A_69, %sub3A_76 : vector<512x384xf32>
    %integer_pow3A_78 = arith.mulf %sub3A_77, %sub3A_77 : vector<512x384xf32>
    %reduce_sum3A_79 = arith.constant dense<0.000000e+00> : vector<512xf32>
    %reduce_sum3A_80 = vector.multi_reduction <add>, %integer_pow3A_78, %reduce_sum3A_79 [1] : vector<512x384xf32> to vector<512xf32>
    %broadcast_in_dim3A_81 = vector.shape_cast %reduce_sum3A_80 : vector<512xf32> to vector<512x1xf32>
    %div3A_82 = arith.constant 3.840000e+02 : f32
    %div3A_83 = vector.broadcast %div3A_82 : f32 to vector<512x1xf32>
    %div3A_84 = arith.divf %broadcast_in_dim3A_81, %div3A_83 : vector<512x1xf32>
    %sub3A_85 = vector.broadcast %div3A_75 : vector<512x1xf32> to vector<512x384xf32>
    %sub3A_86 = arith.subf %add3A_69, %sub3A_85 : vector<512x384xf32>
    %add3A_87 = arith.constant 9.99999997E-7 : f32
    %add3A_88 = vector.broadcast %add3A_87 : f32 to vector<512x1xf32>
    %add3A_89 = arith.addf %div3A_84, %add3A_88 : vector<512x1xf32>
    %sqrt3A_90 = math.sqrt %add3A_89 : vector<512x1xf32>
    %div3A_91 = vector.broadcast %sqrt3A_90 : vector<512x1xf32> to vector<512x384xf32>
    %div3A_92 = arith.divf %sub3A_86, %div3A_91 : vector<512x384xf32>
    %mul3A_93 = vector.broadcast %get3A_4 : vector<1x384xf32> to vector<512x384xf32>
    %mul3A_94 = arith.mulf %div3A_92, %mul3A_93 : vector<512x384xf32>
    %add3A_95 = vector.broadcast %get3A_7 : vector<1x384xf32> to vector<512x384xf32>
    %add3A_96 = arith.addf %mul3A_94, %add3A_95 : vector<512x384xf32>
    %get3A_97 = arith.constant 0 : index
    %get3A_98 = arith.constant 0 : index
    %get3A_99 = vector.load %arg7[%get3A_97, %get3A_98] : memref<384x1536xf32, #tpu.memory_space<vmem>>, vector<384x1536xf32>
    %dot_general3A_100 = arith.constant dense<0.000000e+00> : vector<512x1536xf32>
    %dot_general3A_101 = tpu.matmul %add3A_96, %get3A_99, %dot_general3A_100 {dimension_numbers = #tpu.dot_dimension_numbers<[1], [0], [0], [1], [0, 0, 1, 1], [], []>, transpose_lhs_hint = false} : vector<512x384xf32>, vector<384x1536xf32>, vector<512x1536xf32> -> vector<512x1536xf32>
    %get3A_102 = arith.constant 0 : index
    %get3A_103 = arith.constant 0 : index
    %get3A_104 = vector.load %arg8[%get3A_102, %get3A_103] : memref<1x1536xf32, #tpu.memory_space<vmem>>, vector<1x1536xf32>
    %add3A_105 = vector.broadcast %get3A_104 : vector<1x1536xf32> to vector<512x1536xf32>
    %add3A_106 = arith.addf %dot_general3A_101, %add3A_105 : vector<512x1536xf32>
    %mul3A_107 = arith.constant 5.000000e-01 : f32
    %mul3A_108 = vector.broadcast %mul3A_107 : f32 to vector<512x1536xf32>
    %mul3A_109 = arith.mulf %add3A_106, %mul3A_108 : vector<512x1536xf32>
    %mul3A_110 = arith.constant 0.707106769 : f32
    %mul3A_111 = vector.broadcast %mul3A_110 : f32 to vector<512x1536xf32>
    %mul3A_112 = arith.mulf %add3A_106, %mul3A_111 : vector<512x1536xf32>
    %erf3A = math.erf %mul3A_112 : vector<512x1536xf32>
    %add3A_113 = arith.constant 1.000000e+00 : f32
    %add3A_114 = vector.broadcast %add3A_113 : f32 to vector<512x1536xf32>
    %add3A_115 = arith.addf %add3A_114, %erf3A : vector<512x1536xf32>
    %mul3A_116 = arith.mulf %mul3A_109, %add3A_115 : vector<512x1536xf32>
    %get3A_117 = arith.constant 0 : index
    %get3A_118 = arith.constant 0 : index
    %get3A_119 = vector.load %arg9[%get3A_117, %get3A_118] : memref<1536x384xf32, #tpu.memory_space<vmem>>, vector<1536x384xf32>
    %dot_general3A_120 = arith.constant dense<0.000000e+00> : vector<512x384xf32>
    %dot_general3A_121 = tpu.matmul %mul3A_116, %get3A_119, %dot_general3A_120 {dimension_numbers = #tpu.dot_dimension_numbers<[1], [0], [0], [1], [0, 0, 1, 1], [], []>, transpose_lhs_hint = false} : vector<512x1536xf32>, vector<1536x384xf32>, vector<512x384xf32> -> vector<512x384xf32>
    %add3A_122 = arith.addf %add3A_69, %dot_general3A_121 : vector<512x384xf32>
    %get3A_123 = arith.constant 0 : index
    %get3A_124 = arith.constant 0 : index
    %get3A_125 = vector.load %arg10[%get3A_123, %get3A_124] : memref<1x384xf32, #tpu.memory_space<vmem>>, vector<1x384xf32>
    %add3A_126 = vector.broadcast %get3A_125 : vector<1x384xf32> to vector<512x384xf32>
    %add3A_127 = arith.addf %add3A_122, %add3A_126 : vector<512x384xf32>
    %swap3A = arith.constant 0 : index
    %swap3A_128 = arith.constant 0 : index
    %swap3A_129 = vector.load %arg15[%swap3A, %swap3A_128] : memref<512x384xf32, #tpu.memory_space<vmem>>, vector<512x384xf32>
    tpu.vector_store %arg15[%swap3A, %swap3A_128], %add3A_127 {strides = array<i32>} : memref<512x384xf32, #tpu.memory_space<vmem>>, vector<512x384xf32>,
    %get3A_130 = arith.constant 0 : index
    %get3A_131 = arith.constant 0 : index
    %get3A_132 = vector.load %arg11[%get3A_130, %get3A_131] : memref<384x384xf32, #tpu.memory_space<vmem>>, vector<384x384xf32>
    %dot_general3A_133 = arith.constant dense<0.000000e+00> : vector<512x384xf32>
    %dot_general3A_134 = tpu.matmul %add3A_127, %get3A_132, %dot_general3A_133 {dimension_numbers = #tpu.dot_dimension_numbers<[1], [0], [0], [1], [0, 0, 1, 1], [], []>, transpose_lhs_hint = false} : vector<512x384xf32>, vector<384x384xf32>, vector<512x384xf32> -> vector<512x384xf32>
    %get3A_135 = arith.constant 0 : index
    %get3A_136 = arith.constant 0 : index
    %get3A_137 = vector.load %arg12[%get3A_135, %get3A_136] : memref<1x384xf32, #tpu.memory_space<vmem>>, vector<1x384xf32>
    %add3A_138 = vector.broadcast %get3A_137 : vector<1x384xf32> to vector<512x384xf32>
    %add3A_139 = arith.addf %dot_general3A_134, %add3A_138 : vector<512x384xf32>
    %get3A_140 = arith.constant 0 : index
    %get3A_141 = arith.constant 0 : index
    %get3A_142 = vector.load %arg13[%get3A_140, %get3A_141] : memref<384x384xf32, #tpu.memory_space<vmem>>, vector<384x384xf32>
    %dot_general3A_143 = arith.constant dense<0.000000e+00> : vector<512x384xf32>
    %dot_general3A_144 = tpu.matmul %add3A_127, %get3A_142, %dot_general3A_143 {dimension_numbers = #tpu.dot_dimension_numbers<[1], [0], [0], [1], [0, 0, 1, 1], [], []>, transpose_lhs_hint = false} : vector<512x384xf32>, vector<384x384xf32>, vector<512x384xf32> -> vector<512x384xf32>
    %get3A_145 = arith.constant 0 : index
    %get3A_146 = arith.constant 0 : index
    %get3A_147 = vector.load %arg14[%get3A_145, %get3A_146] : memref<1x384xf32, #tpu.memory_space<vmem>>, vector<1x384xf32>
    %add3A_148 = vector.broadcast %get3A_147 : vector<1x384xf32> to vector<512x384xf32>
    %add3A_149 = arith.addf %dot_general3A_144, %add3A_148 : vector<512x384xf32>
    %dot_general3A_150 = arith.constant dense<0.000000e+00> : vector<512x512xf32>
    %dot_general3A_151 = tpu.matmul %add3A_139, %add3A_149, %dot_general3A_150 {dimension_numbers = #tpu.dot_dimension_numbers<[1], [1], [0], [0], [0, 0, 1, 0], [], []>, transpose_lhs_hint = false} : vector<512x384xf32>, vector<512x384xf32>, vector<512x512xf32> -> vector<512x512xf32>
    %iota3A = tpu.iota {dimensions = array<i32: 1>} : vector<512x512xi32>
    %reduce_max3A_152 = arith.constant dense<0xFF800000> : vector<512xf32>
    %reduce_max3A_153 = vector.multi_reduction <maximumf>, %dot_general3A_151, %reduce_max3A_152 [1] : vector<512x512xf32> to vector<512xf32>
    %broadcast_in_dim3A_154 = vector.shape_cast %reduce_max3A_153 : vector<512xf32> to vector<512x1xf32>
    %ge3A = vector.broadcast %broadcast_in_dim3A_154 : vector<512x1xf32> to vector<512x512xf32>
    %ge3A_155 = arith.cmpf oge, %dot_general3A_151, %ge3A : vector<512x512xf32>
    %jit3A = arith.constant 512 : i32
    %broadcast_in_dim3A_156 = vector.broadcast %jit3A : i32 to vector<512x512xi32>
    %select_n3A = arith.select %ge3A_155, %iota3A, %broadcast_in_dim3A_156 : vector<512x512xi1>, vector<512x512xi32>
    %reduce_min3A = arith.constant dense<2147483647> : vector<512xi32>
    %reduce_min3A_157 = vector.multi_reduction <minsi>, %select_n3A, %reduce_min3A [1] : vector<512x512xi32> to vector<512xi32>
    %broadcast_in_dim3A_158 = vector.shape_cast %reduce_min3A_157 : vector<512xi32> to vector<512x1xi32>
    %eq3A = vector.broadcast %broadcast_in_dim3A_158 : vector<512x1xi32> to vector<512x512xi32>
    %eq3A_159 = arith.cmpi eq, %iota3A, %eq3A : vector<512x512xi32>
    %jit3A_160 = arith.constant -1.000000e+30 : f32
    %broadcast_in_dim3A_161 = vector.broadcast %jit3A_160 : f32 to vector<512x512xf32>
    %select_n3A_162 = arith.select %eq3A_159, %broadcast_in_dim3A_161, %dot_general3A_151 : vector<512x512xi1>, vector<512x512xf32>
    %squeeze3A = vector.shape_cast %broadcast_in_dim3A_158 : vector<512x1xi32> to vector<512xi32>
    %swap3A_163 = arith.constant 0 : index
    %swap3A_164 = arith.constant 0 : index
    %swap3A_165 = vector.load %arg16[%swap3A_163, %swap3A_164] : memref<4x512xi32, #tpu.memory_space<vmem>>, vector<1x512xi32>
    %swap3A_166 = vector.shape_cast %swap3A_165 : vector<1x512xi32> to vector<512xi32>
    %swap3A_167 = vector.shape_cast %squeeze3A : vector<512xi32> to vector<1x512xi32>
    tpu.vector_store %arg16[%swap3A_163, %swap3A_164], %swap3A_167 {strides = array<i32>} : memref<4x512xi32, #tpu.memory_space<vmem>>, vector<1x512xi32>,
    %reduce_max3A_168 = arith.constant dense<0xFF800000> : vector<512xf32>
    %reduce_max3A_169 = vector.multi_reduction <maximumf>, %select_n3A_162, %reduce_max3A_168 [1] : vector<512x512xf32> to vector<512xf32>
    %broadcast_in_dim3A_170 = vector.shape_cast %reduce_max3A_169 : vector<512xf32> to vector<512x1xf32>
    %ge3A_171 = vector.broadcast %broadcast_in_dim3A_170 : vector<512x1xf32> to vector<512x512xf32>
    %ge3A_172 = arith.cmpf oge, %select_n3A_162, %ge3A_171 : vector<512x512xf32>
    %jit3A_173 = arith.constant 512 : i32
    %broadcast_in_dim3A_174 = vector.broadcast %jit3A_173 : i32 to vector<512x512xi32>
    %select_n3A_175 = arith.select %ge3A_172, %iota3A, %broadcast_in_dim3A_174 : vector<512x512xi1>, vector<512x512xi32>
    %reduce_min3A_176 = arith.constant dense<2147483647> : vector<512xi32>
    %reduce_min3A_177 = vector.multi_reduction <minsi>, %select_n3A_175, %reduce_min3A_176 [1] : vector<512x512xi32> to vector<512xi32>
    %broadcast_in_dim3A_178 = vector.shape_cast %reduce_min3A_177 : vector<512xi32> to vector<512x1xi32>
    %eq3A_179 = vector.broadcast %broadcast_in_dim3A_178 : vector<512x1xi32> to vector<512x512xi32>
    %eq3A_180 = arith.cmpi eq, %iota3A, %eq3A_179 : vector<512x512xi32>
    %jit3A_181 = arith.constant -1.000000e+30 : f32
    %broadcast_in_dim3A_182 = vector.broadcast %jit3A_181 : f32 to vector<512x512xf32>
    %select_n3A_183 = arith.select %eq3A_180, %broadcast_in_dim3A_182, %select_n3A_162 : vector<512x512xi1>, vector<512x512xf32>
    %squeeze3A_184 = vector.shape_cast %broadcast_in_dim3A_178 : vector<512x1xi32> to vector<512xi32>
    %swap3A_185 = arith.constant 1 : index
    %swap3A_186 = arith.constant 0 : index
    %swap3A_187 = vector.load %arg16[%swap3A_185, %swap3A_186] : memref<4x512xi32, #tpu.memory_space<vmem>>, vector<1x512xi32>
    %swap3A_188 = vector.shape_cast %swap3A_187 : vector<1x512xi32> to vector<512xi32>
    %swap3A_189 = vector.shape_cast %squeeze3A_184 : vector<512xi32> to vector<1x512xi32>
    tpu.vector_store %arg16[%swap3A_185, %swap3A_186], %swap3A_189 {strides = array<i32>} : memref<4x512xi32, #tpu.memory_space<vmem>>, vector<1x512xi32>,
    %reduce_max3A_190 = arith.constant dense<0xFF800000> : vector<512xf32>
    %reduce_max3A_191 = vector.multi_reduction <maximumf>, %select_n3A_183, %reduce_max3A_190 [1] : vector<512x512xf32> to vector<512xf32>
    %broadcast_in_dim3A_192 = vector.shape_cast %reduce_max3A_191 : vector<512xf32> to vector<512x1xf32>
    %ge3A_193 = vector.broadcast %broadcast_in_dim3A_192 : vector<512x1xf32> to vector<512x512xf32>
    %ge3A_194 = arith.cmpf oge, %select_n3A_183, %ge3A_193 : vector<512x512xf32>
    %jit3A_195 = arith.constant 512 : i32
    %broadcast_in_dim3A_196 = vector.broadcast %jit3A_195 : i32 to vector<512x512xi32>
    %select_n3A_197 = arith.select %ge3A_194, %iota3A, %broadcast_in_dim3A_196 : vector<512x512xi1>, vector<512x512xi32>
    %reduce_min3A_198 = arith.constant dense<2147483647> : vector<512xi32>
    %reduce_min3A_199 = vector.multi_reduction <minsi>, %select_n3A_197, %reduce_min3A_198 [1] : vector<512x512xi32> to vector<512xi32>
    %broadcast_in_dim3A_200 = vector.shape_cast %reduce_min3A_199 : vector<512xi32> to vector<512x1xi32>
    %eq3A_201 = vector.broadcast %broadcast_in_dim3A_200 : vector<512x1xi32> to vector<512x512xi32>
    %eq3A_202 = arith.cmpi eq, %iota3A, %eq3A_201 : vector<512x512xi32>
    %jit3A_203 = arith.constant -1.000000e+30 : f32
    %broadcast_in_dim3A_204 = vector.broadcast %jit3A_203 : f32 to vector<512x512xf32>
    %select_n3A_205 = arith.select %eq3A_202, %broadcast_in_dim3A_204, %select_n3A_183 : vector<512x512xi1>, vector<512x512xf32>
    %squeeze3A_206 = vector.shape_cast %broadcast_in_dim3A_200 : vector<512x1xi32> to vector<512xi32>
    %swap3A_207 = arith.constant 2 : index
    %swap3A_208 = arith.constant 0 : index
    %swap3A_209 = vector.load %arg16[%swap3A_207, %swap3A_208] : memref<4x512xi32, #tpu.memory_space<vmem>>, vector<1x512xi32>
    %swap3A_210 = vector.shape_cast %swap3A_209 : vector<1x512xi32> to vector<512xi32>
    %swap3A_211 = vector.shape_cast %squeeze3A_206 : vector<512xi32> to vector<1x512xi32>
    tpu.vector_store %arg16[%swap3A_207, %swap3A_208], %swap3A_211 {strides = array<i32>} : memref<4x512xi32, #tpu.memory_space<vmem>>, vector<1x512xi32>,
    %reduce_max3A_212 = arith.constant dense<0xFF800000> : vector<512xf32>
    %reduce_max3A_213 = vector.multi_reduction <maximumf>, %select_n3A_205, %reduce_max3A_212 [1] : vector<512x512xf32> to vector<512xf32>
    %broadcast_in_dim3A_214 = vector.shape_cast %reduce_max3A_213 : vector<512xf32> to vector<512x1xf32>
    %ge3A_215 = vector.broadcast %broadcast_in_dim3A_214 : vector<512x1xf32> to vector<512x512xf32>
    %ge3A_216 = arith.cmpf oge, %select_n3A_205, %ge3A_215 : vector<512x512xf32>
    %jit3A_217 = arith.constant 512 : i32
    %broadcast_in_dim3A_218 = vector.broadcast %jit3A_217 : i32 to vector<512x512xi32>
    %select_n3A_219 = arith.select %ge3A_216, %iota3A, %broadcast_in_dim3A_218 : vector<512x512xi1>, vector<512x512xi32>
    %reduce_min3A_220 = arith.constant dense<2147483647> : vector<512xi32>
    %reduce_min3A_221 = vector.multi_reduction <minsi>, %select_n3A_219, %reduce_min3A_220 [1] : vector<512x512xi32> to vector<512xi32>
    %broadcast_in_dim3A_222 = vector.shape_cast %reduce_min3A_221 : vector<512xi32> to vector<512x1xi32>
    %squeeze3A_223 = vector.shape_cast %broadcast_in_dim3A_222 : vector<512x1xi32> to vector<512xi32>
    %swap3A_224 = arith.constant 3 : index
    %swap3A_225 = arith.constant 0 : index
    %swap3A_226 = vector.load %arg16[%swap3A_224, %swap3A_225] : memref<4x512xi32, #tpu.memory_space<vmem>>, vector<1x512xi32>
    %swap3A_227 = vector.shape_cast %swap3A_226 : vector<1x512xi32> to vector<512xi32>
    %swap3A_228 = vector.shape_cast %squeeze3A_223 : vector<512xi32> to vector<1x512xi32>
    tpu.vector_store %arg16[%swap3A_224, %swap3A_225], %swap3A_228 {strides = array<i32>} : memref<4x512xi32, #tpu.memory_space<vmem>>, vector<1x512xi32>,
    return
  }
}

module attributes {stable_mosaic.version = 14 : i64} {
  func.func @_window_kernel(%arg0: i32, %arg1: memref<1x4x8x32x384xbf16, #tpu.memory_space<vmem>>, %arg2: memref<4x16x384xf32, #tpu.memory_space<vmem>>, %arg3: memref<1x384xf32, #tpu.memory_space<vmem>>, %arg4: memref<1x384xf32, #tpu.memory_space<vmem>>, %arg5: memref<384x1152xbf16, #tpu.memory_space<vmem>>, %arg6: memref<1x1152xf32, #tpu.memory_space<vmem>>, %arg7: memref<384x384xbf16, #tpu.memory_space<vmem>>, %arg8: memref<1x384xf32, #tpu.memory_space<vmem>>, %arg9: memref<384x1536xbf16, #tpu.memory_space<vmem>>, %arg10: memref<1x1536xf32, #tpu.memory_space<vmem>>, %arg11: memref<1536x384xbf16, #tpu.memory_space<vmem>>, %arg12: memref<1x384xf32, #tpu.memory_space<vmem>>, %arg13: memref<1x4x8x32x384xbf16, #tpu.memory_space<vmem>>) attributes {dimension_semantics = [#tpu.dimension_semantics<arbitrary>], iteration_bounds = array<i64: 32>, scalar_prefetch = 0 : i64, scratch_operands = 0 : i64, tpu.core_type = #tpu.core_type<tc>, window_params = [{transform_indices = @transform_0, window_bounds = array<i64: 1, 4, 8, 32, 384>}, {transform_indices = @transform_1, window_bounds = array<i64: 4, 16, 384>}, {pipeline_mode = #tpu.pipeline_mode<synchronous>, transform_indices = @transform_2, window_bounds = array<i64: 1, 384>}, {pipeline_mode = #tpu.pipeline_mode<synchronous>, transform_indices = @transform_3, window_bounds = array<i64: 1, 384>}, {pipeline_mode = #tpu.pipeline_mode<synchronous>, transform_indices = @transform_4, window_bounds = array<i64: 384, 1152>}, {pipeline_mode = #tpu.pipeline_mode<synchronous>, transform_indices = @transform_5, window_bounds = array<i64: 1, 1152>}, {pipeline_mode = #tpu.pipeline_mode<synchronous>, transform_indices = @transform_6, window_bounds = array<i64: 384, 384>}, {pipeline_mode = #tpu.pipeline_mode<synchronous>, transform_indices = @transform_7, window_bounds = array<i64: 1, 384>}, {pipeline_mode = #tpu.pipeline_mode<synchronous>, transform_indices = @transform_8, window_bounds = array<i64: 384, 1536>}, {pipeline_mode = #tpu.pipeline_mode<synchronous>, transform_indices = @transform_9, window_bounds = array<i64: 1, 1536>}, {pipeline_mode = #tpu.pipeline_mode<synchronous>, transform_indices = @transform_10, window_bounds = array<i64: 1536, 384>}, {pipeline_mode = #tpu.pipeline_mode<synchronous>, transform_indices = @transform_11, window_bounds = array<i64: 1, 384>}, {transform_indices = @transform_12, window_bounds = array<i64: 1, 4, 8, 32, 384>}]} {
    %get3A = arith.constant 0 : index
    %get3A_0 = arith.constant 0 : index
    %get3A_1 = vector.load %arg3[%get3A, %get3A_0] : memref<1x384xf32, #tpu.memory_space<vmem>>, vector<1x384xf32>
    %get3A_2 = arith.constant 0 : index
    %get3A_3 = arith.constant 0 : index
    %get3A_4 = vector.load %arg4[%get3A_2, %get3A_3] : memref<1x384xf32, #tpu.memory_space<vmem>>, vector<1x384xf32>
    %get3A_5 = arith.constant 0 : index
    %get3A_6 = arith.constant 0 : index
    %get3A_7 = arith.constant 0 : index
    %get3A_8 = arith.constant 0 : index
    %get3A_9 = arith.constant 0 : index
    %get3A_10 = vector.load %arg1[%get3A_5, %get3A_6, %get3A_7, %get3A_8, %get3A_9] : memref<1x4x8x32x384xbf16, #tpu.memory_space<vmem>>, vector<1x4x8x32x384xbf16>
    %get3A_11 = vector.shape_cast %get3A_10 : vector<1x4x8x32x384xbf16> to vector<4x8x32x384xbf16>
    %reshape3A = vector.shape_cast %get3A_11 : vector<4x8x32x384xbf16> to vector<4x2x4x8x4x384xbf16>
    %transpose3A = tpu.transpose %reshape3A, [1, 3, 0, 2, 4, 5] : vector<4x2x4x8x4x384xbf16> -> vector<2x8x4x4x4x384xbf16>
    %reshape3A_12 = vector.shape_cast %transpose3A : vector<2x8x4x4x4x384xbf16> to vector<16x64x384xbf16>
    %convert_element_type3A = arith.extf %reshape3A_12 : vector<16x64x384xbf16> to vector<16x64x384xf32>
    %get3A_13 = arith.constant 0 : index
    %get3A_14 = arith.constant 0 : index
    %get3A_15 = arith.constant 0 : index
    %get3A_16 = vector.load %arg2[%get3A_13, %get3A_14, %get3A_15] : memref<4x16x384xf32, #tpu.memory_space<vmem>>, vector<4x16x384xf32>
    %transpose3A_17 = tpu.transpose %get3A_16, [1, 0, 2] : vector<4x16x384xf32> -> vector<16x4x384xf32>
    %broadcast_in_dim3A = arith.constant 0.000000e+00 : f32
    %broadcast_in_dim3A_18 = vector.broadcast %broadcast_in_dim3A : f32 to vector<16x4x384xf32>
    %concatenate3A = tpu.concatenate %convert_element_type3A, %transpose3A_17, %broadcast_in_dim3A_18 in 1 : vector<16x64x384xf32>, vector<16x4x384xf32>, vector<16x4x384xf32> -> vector<16x72x384xf32>
    %reduce_sum3A = arith.constant dense<0.000000e+00> : vector<16x72xf32>
    %reduce_sum3A_19 = vector.multi_reduction <add>, %concatenate3A, %reduce_sum3A [2] : vector<16x72x384xf32> to vector<16x72xf32>
    %broadcast_in_dim3A_20 = vector.shape_cast %reduce_sum3A_19 : vector<16x72xf32> to vector<16x72x1xf32>
    %div3A = arith.constant 3.840000e+02 : f32
    %div3A_21 = vector.broadcast %div3A : f32 to vector<16x72x1xf32>
    %div3A_22 = arith.divf %broadcast_in_dim3A_20, %div3A_21 : vector<16x72x1xf32>
    %sub3A = vector.broadcast %div3A_22 : vector<16x72x1xf32> to vector<16x72x384xf32>
    %sub3A_23 = arith.subf %concatenate3A, %sub3A : vector<16x72x384xf32>
    %integer_pow3A = arith.mulf %sub3A_23, %sub3A_23 : vector<16x72x384xf32>
    %reduce_sum3A_24 = arith.constant dense<0.000000e+00> : vector<16x72xf32>
    %reduce_sum3A_25 = vector.multi_reduction <add>, %integer_pow3A, %reduce_sum3A_24 [2] : vector<16x72x384xf32> to vector<16x72xf32>
    %broadcast_in_dim3A_26 = vector.shape_cast %reduce_sum3A_25 : vector<16x72xf32> to vector<16x72x1xf32>
    %div3A_27 = arith.constant 3.840000e+02 : f32
    %div3A_28 = vector.broadcast %div3A_27 : f32 to vector<16x72x1xf32>
    %div3A_29 = arith.divf %broadcast_in_dim3A_26, %div3A_28 : vector<16x72x1xf32>
    %sub3A_30 = vector.broadcast %div3A_22 : vector<16x72x1xf32> to vector<16x72x384xf32>
    %sub3A_31 = arith.subf %concatenate3A, %sub3A_30 : vector<16x72x384xf32>
    %add3A = arith.constant 9.99999997E-7 : f32
    %add3A_32 = vector.broadcast %add3A : f32 to vector<16x72x1xf32>
    %add3A_33 = arith.addf %div3A_29, %add3A_32 : vector<16x72x1xf32>
    %sqrt3A = math.sqrt %add3A_33 : vector<16x72x1xf32>
    %div3A_34 = vector.broadcast %sqrt3A : vector<16x72x1xf32> to vector<16x72x384xf32>
    %div3A_35 = arith.divf %sub3A_31, %div3A_34 : vector<16x72x384xf32>
    %broadcast_in_dim3A_36 = vector.shape_cast %get3A_1 : vector<1x384xf32> to vector<1x1x384xf32>
    %mul3A = vector.broadcast %broadcast_in_dim3A_36 : vector<1x1x384xf32> to vector<16x72x384xf32>
    %mul3A_37 = arith.mulf %div3A_35, %mul3A : vector<16x72x384xf32>
    %broadcast_in_dim3A_38 = vector.shape_cast %get3A_4 : vector<1x384xf32> to vector<1x1x384xf32>
    %add3A_39 = vector.broadcast %broadcast_in_dim3A_38 : vector<1x1x384xf32> to vector<16x72x384xf32>
    %add3A_40 = arith.addf %mul3A_37, %add3A_39 : vector<16x72x384xf32>
    %convert_element_type3A_41 = arith.truncf %add3A_40 : vector<16x72x384xf32> to vector<16x72x384xbf16>
    %reshape3A_42 = vector.shape_cast %convert_element_type3A_41 : vector<16x72x384xbf16> to vector<1152x384xbf16>
    %get3A_43 = arith.constant 0 : index
    %get3A_44 = arith.constant 0 : index
    %get3A_45 = vector.load %arg5[%get3A_43, %get3A_44] : memref<384x1152xbf16, #tpu.memory_space<vmem>>, vector<384x1152xbf16>
    %dot_general3A = arith.constant dense<0.000000e+00> : vector<1152x1152xf32>
    %dot_general3A_46 = tpu.matmul %reshape3A_42, %get3A_45, %dot_general3A {dimension_numbers = #tpu.dot_dimension_numbers<[1], [0], [0], [1], [0, 0, 1, 1], [], []>, transpose_lhs_hint = false} : vector<1152x384xbf16>, vector<384x1152xbf16>, vector<1152x1152xf32> -> vector<1152x1152xf32>
    %get3A_47 = arith.constant 0 : index
    %get3A_48 = arith.constant 0 : index
    %get3A_49 = vector.load %arg6[%get3A_47, %get3A_48] : memref<1x1152xf32, #tpu.memory_space<vmem>>, vector<1x1152xf32>
    %add3A_50 = vector.broadcast %get3A_49 : vector<1x1152xf32> to vector<1152x1152xf32>
    %add3A_51 = arith.addf %dot_general3A_46, %add3A_50 : vector<1152x1152xf32>
    %convert_element_type3A_52 = arith.truncf %add3A_51 : vector<1152x1152xf32> to vector<1152x1152xbf16>
    %reshape3A_53 = vector.shape_cast %convert_element_type3A_52 : vector<1152x1152xbf16> to vector<16x72x1152xbf16>
    %slice3A = vector.extract_strided_slice %reshape3A_53 {offsets = [0, 0, 0], sizes = [16, 72, 384], strides = [1, 1, 1]} : vector<16x72x1152xbf16> to vector<16x72x384xbf16>
    %slice3A_54 = vector.extract_strided_slice %reshape3A_53 {offsets = [0, 0, 384], sizes = [16, 72, 384], strides = [1, 1, 1]} : vector<16x72x1152xbf16> to vector<16x72x384xbf16>
    %slice3A_55 = vector.extract_strided_slice %reshape3A_53 {offsets = [0, 0, 768], sizes = [16, 72, 384], strides = [1, 1, 1]} : vector<16x72x1152xbf16> to vector<16x72x384xbf16>
    %iota3A = tpu.iota {dimensions = array<i32: 0>} : vector<12x72x384xi32>
    %iota3A_56 = tpu.iota {dimensions = array<i32: 1>} : vector<12x72x384xi32>
    %iota3A_57 = tpu.iota {dimensions = array<i32: 2>} : vector<12x72x384xi32>
    %jit3A = arith.constant 32 : i32
    %div3A_58 = vector.broadcast %jit3A : i32 to vector<12x72x384xi32>
    %div3A_59 = arith.divsi %iota3A_57, %div3A_58 : vector<12x72x384xi32>
    %sign3A = arith.constant 0 : i32
    %sign3A_60 = vector.broadcast %sign3A : i32 to vector<12x72x384xi32>
    %sign3A_61 = arith.cmpi sgt, %iota3A_57, %sign3A_60 : vector<12x72x384xi32>
    %sign3A_62 = arith.extui %sign3A_61 : vector<12x72x384xi1> to vector<12x72x384xi32>
    %sign3A_63 = arith.constant 0 : i32
    %sign3A_64 = vector.broadcast %sign3A_63 : i32 to vector<12x72x384xi32>
    %sign3A_65 = arith.cmpi slt, %iota3A_57, %sign3A_64 : vector<12x72x384xi32>
    %sign3A_66 = arith.extui %sign3A_65 : vector<12x72x384xi1> to vector<12x72x384xi32>
    %sign3A_67 = arith.subi %sign3A_62, %sign3A_66 : vector<12x72x384xi32>
    %sign3A_68 = arith.constant 0 : i32
    %sign3A_69 = arith.cmpi sgt, %jit3A, %sign3A_68 : i32
    %sign3A_70 = arith.extui %sign3A_69 : i1 to i32
    %sign3A_71 = arith.constant 0 : i32
    %sign3A_72 = arith.cmpi slt, %jit3A, %sign3A_71 : i32
    %sign3A_73 = arith.extui %sign3A_72 : i1 to i32
    %sign3A_74 = arith.subi %sign3A_70, %sign3A_73 : i32
    %ne3A = vector.broadcast %sign3A_74 : i32 to vector<12x72x384xi32>
    %ne3A_75 = arith.cmpi ne, %sign3A_67, %ne3A : vector<12x72x384xi32>
    %rem3A = vector.broadcast %jit3A : i32 to vector<12x72x384xi32>
    %rem3A_76 = arith.remsi %iota3A_57, %rem3A : vector<12x72x384xi32>
    %ne3A_77 = arith.constant 0 : i32
    %ne3A_78 = vector.broadcast %ne3A_77 : i32 to vector<12x72x384xi32>
    %ne3A_79 = arith.cmpi ne, %rem3A_76, %ne3A_78 : vector<12x72x384xi32>
    %and3A = arith.andi %ne3A_75, %ne3A_79 : vector<12x72x384xi1>
    %sub3A_80 = arith.constant 1 : i32
    %sub3A_81 = vector.broadcast %sub3A_80 : i32 to vector<12x72x384xi32>
    %sub3A_82 = arith.subi %div3A_59, %sub3A_81 : vector<12x72x384xi32>
    %select_n3A = arith.select %and3A, %sub3A_82, %div3A_59 : vector<12x72x384xi1>, vector<12x72x384xi32>
    %eq3A = arith.cmpi eq, %iota3A, %select_n3A : vector<12x72x384xi32>
    %lt3A = arith.constant 68 : i32
    %lt3A_83 = vector.broadcast %lt3A : i32 to vector<12x72x384xi32>
    %lt3A_84 = arith.cmpi slt, %iota3A_56, %lt3A_83 : vector<12x72x384xi32>
    %and3A_85 = arith.andi %eq3A, %lt3A_84 : vector<12x72x384xi1>
    %convert_element_type3A_86 = arith.extui %and3A_85 : vector<12x72x384xi1> to vector<12x72x384xi32>
    %convert_element_type3A_87 = arith.sitofp %convert_element_type3A_86 : vector<12x72x384xi32> to vector<12x72x384xf32>
    %convert_element_type3A_88 = arith.truncf %convert_element_type3A_87 : vector<12x72x384xf32> to vector<12x72x384xbf16>
    %broadcast_in_dim3A_89 = vector.shape_cast %slice3A_54 : vector<16x72x384xbf16> to vector<16x1x72x384xbf16>
    %broadcast_in_dim3A_90 = vector.shape_cast %convert_element_type3A_88 : vector<12x72x384xbf16> to vector<1x12x72x384xbf16>
    %mul3A_91 = vector.broadcast %broadcast_in_dim3A_89 : vector<16x1x72x384xbf16> to vector<16x12x72x384xbf16>
    %mul3A_92 = vector.broadcast %broadcast_in_dim3A_90 : vector<1x12x72x384xbf16> to vector<16x12x72x384xbf16>
    %mul3A_93 = arith.mulf %mul3A_91, %mul3A_92 : vector<16x12x72x384xbf16>
    %reshape3A_94 = vector.shape_cast %mul3A_93 : vector<16x12x72x384xbf16> to vector<16x864x384xbf16>
    %broadcast_in_dim3A_95 = vector.shape_cast %slice3A_55 : vector<16x72x384xbf16> to vector<16x1x72x384xbf16>
    %broadcast_in_dim3A_96 = vector.shape_cast %convert_element_type3A_88 : vector<12x72x384xbf16> to vector<1x12x72x384xbf16>
    %mul3A_97 = vector.broadcast %broadcast_in_dim3A_95 : vector<16x1x72x384xbf16> to vector<16x12x72x384xbf16>
    %mul3A_98 = vector.broadcast %broadcast_in_dim3A_96 : vector<1x12x72x384xbf16> to vector<16x12x72x384xbf16>
    %mul3A_99 = arith.mulf %mul3A_97, %mul3A_98 : vector<16x12x72x384xbf16>
    %reshape3A_100 = vector.shape_cast %mul3A_99 : vector<16x12x72x384xbf16> to vector<16x864x384xbf16>
    %iota3A_101 = tpu.iota {dimensions = array<i32: 0>} : vector<864x12xi32>
    %jit3A_102 = arith.constant 72 : i32
    %div3A_103 = vector.broadcast %jit3A_102 : i32 to vector<864x12xi32>
    %div3A_104 = arith.divsi %iota3A_101, %div3A_103 : vector<864x12xi32>
    %sign3A_105 = arith.constant 0 : i32
    %sign3A_106 = vector.broadcast %sign3A_105 : i32 to vector<864x12xi32>
    %sign3A_107 = arith.cmpi sgt, %iota3A_101, %sign3A_106 : vector<864x12xi32>
    %sign3A_108 = arith.extui %sign3A_107 : vector<864x12xi1> to vector<864x12xi32>
    %sign3A_109 = arith.constant 0 : i32
    %sign3A_110 = vector.broadcast %sign3A_109 : i32 to vector<864x12xi32>
    %sign3A_111 = arith.cmpi slt, %iota3A_101, %sign3A_110 : vector<864x12xi32>
    %sign3A_112 = arith.extui %sign3A_111 : vector<864x12xi1> to vector<864x12xi32>
    %sign3A_113 = arith.subi %sign3A_108, %sign3A_112 : vector<864x12xi32>
    %sign3A_114 = arith.constant 0 : i32
    %sign3A_115 = arith.cmpi sgt, %jit3A_102, %sign3A_114 : i32
    %sign3A_116 = arith.extui %sign3A_115 : i1 to i32
    %sign3A_117 = arith.constant 0 : i32
    %sign3A_118 = arith.cmpi slt, %jit3A_102, %sign3A_117 : i32
    %sign3A_119 = arith.extui %sign3A_118 : i1 to i32
    %sign3A_120 = arith.subi %sign3A_116, %sign3A_119 : i32
    %ne3A_121 = vector.broadcast %sign3A_120 : i32 to vector<864x12xi32>
    %ne3A_122 = arith.cmpi ne, %sign3A_113, %ne3A_121 : vector<864x12xi32>
    %rem3A_123 = vector.broadcast %jit3A_102 : i32 to vector<864x12xi32>
    %rem3A_124 = arith.remsi %iota3A_101, %rem3A_123 : vector<864x12xi32>
    %ne3A_125 = arith.constant 0 : i32
    %ne3A_126 = vector.broadcast %ne3A_125 : i32 to vector<864x12xi32>
    %ne3A_127 = arith.cmpi ne, %rem3A_124, %ne3A_126 : vector<864x12xi32>
    %and3A_128 = arith.andi %ne3A_122, %ne3A_127 : vector<864x12xi1>
    %sub3A_129 = arith.constant 1 : i32
    %sub3A_130 = vector.broadcast %sub3A_129 : i32 to vector<864x12xi32>
    %sub3A_131 = arith.subi %div3A_104, %sub3A_130 : vector<864x12xi32>
    %select_n3A_132 = arith.select %and3A_128, %sub3A_131, %div3A_104 : vector<864x12xi1>, vector<864x12xi32>
    %iota3A_133 = tpu.iota {dimensions = array<i32: 0>} : vector<864x12xi32>
    %jit3A_134 = arith.constant 72 : i32
    %eq3A_135 = arith.constant 0 : i32
    %eq3A_136 = arith.cmpi eq, %jit3A_134, %eq3A_135 : i32
    %jit3A_137 = arith.constant 1 : i32
    %select_n3A_138 = arith.select %eq3A_136, %jit3A_137, %jit3A_134 : i32
    %rem3A_139 = vector.broadcast %select_n3A_138 : i32 to vector<864x12xi32>
    %rem3A_140 = arith.remsi %iota3A_133, %rem3A_139 : vector<864x12xi32>
    %ne3A_141 = arith.constant 0 : i32
    %ne3A_142 = vector.broadcast %ne3A_141 : i32 to vector<864x12xi32>
    %ne3A_143 = arith.cmpi ne, %rem3A_140, %ne3A_142 : vector<864x12xi32>
    %lt3A_144 = arith.constant 0 : i32
    %lt3A_145 = vector.broadcast %lt3A_144 : i32 to vector<864x12xi32>
    %lt3A_146 = arith.cmpi slt, %rem3A_140, %lt3A_145 : vector<864x12xi32>
    %lt3A_147 = arith.constant 0 : i32
    %lt3A_148 = arith.cmpi slt, %select_n3A_138, %lt3A_147 : i32
    %ne3A_149 = vector.broadcast %lt3A_148 : i1 to vector<864x12xi1>
    %ne3A_150 = vector.broadcast %ne3A_149 : vector<864x12xi1> to vector<864x12xi1>
    %ne3A_151 = arith.xori %lt3A_146, %ne3A_150 : vector<864x12xi1>
    %and3A_152 = arith.andi %ne3A_151, %ne3A_143 : vector<864x12xi1>
    %add3A_153 = vector.broadcast %select_n3A_138 : i32 to vector<864x12xi32>
    %add3A_154 = arith.addi %rem3A_140, %add3A_153 : vector<864x12xi32>
    %select_n3A_155 = arith.select %and3A_152, %add3A_154, %rem3A_140 : vector<864x12xi1>, vector<864x12xi32>
    %iota3A_156 = tpu.iota {dimensions = array<i32: 1>} : vector<864x12xi32>
    %eq3A_157 = arith.cmpi eq, %select_n3A_132, %iota3A_156 : vector<864x12xi32>
    %lt3A_158 = arith.constant 68 : i32
    %lt3A_159 = vector.broadcast %lt3A_158 : i32 to vector<864x12xi32>
    %lt3A_160 = arith.cmpi slt, %select_n3A_155, %lt3A_159 : vector<864x12xi32>
    %and3A_161 = arith.andi %eq3A_157, %lt3A_160 : vector<864x12xi1>
    %convert_element_type3A_162 = arith.extui %and3A_161 : vector<864x12xi1> to vector<864x12xi32>
    %convert_element_type3A_163 = arith.sitofp %convert_element_type3A_162 : vector<864x12xi32> to vector<864x12xf32>
    %convert_element_type3A_164 = arith.truncf %convert_element_type3A_163 : vector<864x12xf32> to vector<864x12xbf16>
    %broadcast_in_dim3A_165 = vector.shape_cast %convert_element_type3A_164 : vector<864x12xbf16> to vector<1x864x12xbf16>
    %broadcast_in_dim3A_166 = vector.shape_cast %broadcast_in_dim3A_165 : vector<1x864x12xbf16> to vector<1x864x12xbf16>
    %broadcast_in_dim3A_167 = vector.broadcast %broadcast_in_dim3A_166 : vector<1x864x12xbf16> to vector<16x864x12xbf16>
    %concatenate3A_168 = tpu.concatenate %reshape3A_100, %broadcast_in_dim3A_167 in 2 : vector<16x864x384xbf16>, vector<16x864x12xbf16> -> vector<16x864x396xbf16>
    %dot_general3A_169 = arith.constant dense<0.000000e+00> : vector<16x72x864xf32>
    %dot_general3A_170 = tpu.matmul %slice3A, %reshape3A_94, %dot_general3A_169 {dimension_numbers = #tpu.dot_dimension_numbers<[2], [2], [1], [1], [0, 0, 0, 1, 1, 1], [0], [0]>, transpose_lhs_hint = false} : vector<16x72x384xbf16>, vector<16x864x384xbf16>, vector<16x72x864xf32> -> vector<16x72x864xf32>
    %convert_element_type3A_171 = arith.truncf %dot_general3A_170 : vector<16x72x864xf32> to vector<16x72x864xbf16>
    %exp3A = math.exp %convert_element_type3A_171 : vector<16x72x864xbf16>
    %dot_general3A_172 = arith.constant dense<0.000000e+00> : vector<16x72x396xf32>
    %dot_general3A_173 = tpu.matmul %exp3A, %concatenate3A_168, %dot_general3A_172 {dimension_numbers = #tpu.dot_dimension_numbers<[2], [1], [1], [2], [0, 0, 0, 1, 1, 2], [0], [0]>, transpose_lhs_hint = false} : vector<16x72x864xbf16>, vector<16x864x396xbf16>, vector<16x72x396xf32> -> vector<16x72x396xf32>
    %slice3A_174 = vector.extract_strided_slice %dot_general3A_173 {offsets = [0, 0, 0], sizes = [16, 64, 384], strides = [1, 1, 1]} : vector<16x72x396xf32> to vector<16x64x384xf32>
    %reshape3A_175 = vector.shape_cast %slice3A_174 : vector<16x64x384xf32> to vector<1024x384xf32>
    %slice3A_176 = vector.extract_strided_slice %dot_general3A_173 {offsets = [0, 0, 384], sizes = [16, 64, 12], strides = [1, 1, 1]} : vector<16x72x396xf32> to vector<16x64x12xf32>
    %div3A_177 = arith.constant 1.000000e+00 : f32
    %div3A_178 = vector.broadcast %div3A_177 : f32 to vector<16x64x12xf32>
    %div3A_179 = arith.divf %div3A_178, %slice3A_176 : vector<16x64x12xf32>
    %convert_element_type3A_180 = arith.truncf %div3A_179 : vector<16x64x12xf32> to vector<16x64x12xbf16>
    %iota3A_181 = tpu.iota {dimensions = array<i32: 0>} : vector<12x384xi32>
    %iota3A_182 = tpu.iota {dimensions = array<i32: 1>} : vector<12x384xi32>
    %jit3A_183 = arith.constant 32 : i32
    %div3A_184 = vector.broadcast %jit3A_183 : i32 to vector<12x384xi32>
    %div3A_185 = arith.divsi %iota3A_182, %div3A_184 : vector<12x384xi32>
    %sign3A_186 = arith.constant 0 : i32
    %sign3A_187 = vector.broadcast %sign3A_186 : i32 to vector<12x384xi32>
    %sign3A_188 = arith.cmpi sgt, %iota3A_182, %sign3A_187 : vector<12x384xi32>
    %sign3A_189 = arith.extui %sign3A_188 : vector<12x384xi1> to vector<12x384xi32>
    %sign3A_190 = arith.constant 0 : i32
    %sign3A_191 = vector.broadcast %sign3A_190 : i32 to vector<12x384xi32>
    %sign3A_192 = arith.cmpi slt, %iota3A_182, %sign3A_191 : vector<12x384xi32>
    %sign3A_193 = arith.extui %sign3A_192 : vector<12x384xi1> to vector<12x384xi32>
    %sign3A_194 = arith.subi %sign3A_189, %sign3A_193 : vector<12x384xi32>
    %sign3A_195 = arith.constant 0 : i32
    %sign3A_196 = arith.cmpi sgt, %jit3A_183, %sign3A_195 : i32
    %sign3A_197 = arith.extui %sign3A_196 : i1 to i32
    %sign3A_198 = arith.constant 0 : i32
    %sign3A_199 = arith.cmpi slt, %jit3A_183, %sign3A_198 : i32
    %sign3A_200 = arith.extui %sign3A_199 : i1 to i32
    %sign3A_201 = arith.subi %sign3A_197, %sign3A_200 : i32
    %ne3A_202 = vector.broadcast %sign3A_201 : i32 to vector<12x384xi32>
    %ne3A_203 = arith.cmpi ne, %sign3A_194, %ne3A_202 : vector<12x384xi32>
    %rem3A_204 = vector.broadcast %jit3A_183 : i32 to vector<12x384xi32>
    %rem3A_205 = arith.remsi %iota3A_182, %rem3A_204 : vector<12x384xi32>
    %ne3A_206 = arith.constant 0 : i32
    %ne3A_207 = vector.broadcast %ne3A_206 : i32 to vector<12x384xi32>
    %ne3A_208 = arith.cmpi ne, %rem3A_205, %ne3A_207 : vector<12x384xi32>
    %and3A_209 = arith.andi %ne3A_203, %ne3A_208 : vector<12x384xi1>
    %sub3A_210 = arith.constant 1 : i32
    %sub3A_211 = vector.broadcast %sub3A_210 : i32 to vector<12x384xi32>
    %sub3A_212 = arith.subi %div3A_185, %sub3A_211 : vector<12x384xi32>
    %select_n3A_213 = arith.select %and3A_209, %sub3A_212, %div3A_185 : vector<12x384xi1>, vector<12x384xi32>
    %eq3A_214 = arith.cmpi eq, %iota3A_181, %select_n3A_213 : vector<12x384xi32>
    %convert_element_type3A_215 = arith.extui %eq3A_214 : vector<12x384xi1> to vector<12x384xi32>
    %convert_element_type3A_216 = arith.sitofp %convert_element_type3A_215 : vector<12x384xi32> to vector<12x384xf32>
    %convert_element_type3A_217 = arith.truncf %convert_element_type3A_216 : vector<12x384xf32> to vector<12x384xbf16>
    %reshape3A_218 = vector.shape_cast %convert_element_type3A_180 : vector<16x64x12xbf16> to vector<1024x12xbf16>
    %dot_general3A_219 = arith.constant dense<0.000000e+00> : vector<1024x384xf32>
    %dot_general3A_220 = tpu.matmul %reshape3A_218, %convert_element_type3A_217, %dot_general3A_219 {dimension_numbers = #tpu.dot_dimension_numbers<[1], [0], [0], [1], [0, 0, 1, 1], [], []>, transpose_lhs_hint = false} : vector<1024x12xbf16>, vector<12x384xbf16>, vector<1024x384xf32> -> vector<1024x384xf32>
    %mul3A_221 = arith.mulf %reshape3A_175, %dot_general3A_220 : vector<1024x384xf32>
    %convert_element_type3A_222 = arith.truncf %mul3A_221 : vector<1024x384xf32> to vector<1024x384xbf16>
    %get3A_223 = arith.constant 0 : index
    %get3A_224 = arith.constant 0 : index
    %get3A_225 = vector.load %arg7[%get3A_223, %get3A_224] : memref<384x384xbf16, #tpu.memory_space<vmem>>, vector<384x384xbf16>
    %dot_general3A_226 = arith.constant dense<0.000000e+00> : vector<1024x384xf32>
    %dot_general3A_227 = tpu.matmul %convert_element_type3A_222, %get3A_225, %dot_general3A_226 {dimension_numbers = #tpu.dot_dimension_numbers<[1], [0], [0], [1], [0, 0, 1, 1], [], []>, transpose_lhs_hint = false} : vector<1024x384xbf16>, vector<384x384xbf16>, vector<1024x384xf32> -> vector<1024x384xf32>
    %get3A_228 = arith.constant 0 : index
    %get3A_229 = arith.constant 0 : index
    %get3A_230 = vector.load %arg8[%get3A_228, %get3A_229] : memref<1x384xf32, #tpu.memory_space<vmem>>, vector<1x384xf32>
    %add3A_231 = vector.broadcast %get3A_230 : vector<1x384xf32> to vector<1024x384xf32>
    %add3A_232 = arith.addf %dot_general3A_227, %add3A_231 : vector<1024x384xf32>
    %reshape3A_233 = vector.shape_cast %convert_element_type3A : vector<16x64x384xf32> to vector<1024x384xf32>
    %add3A_234 = arith.addf %add3A_232, %reshape3A_233 : vector<1024x384xf32>
    %reduce_sum3A_235 = arith.constant dense<0.000000e+00> : vector<1024xf32>
    %reduce_sum3A_236 = vector.multi_reduction <add>, %add3A_234, %reduce_sum3A_235 [1] : vector<1024x384xf32> to vector<1024xf32>
    %broadcast_in_dim3A_237 = vector.shape_cast %reduce_sum3A_236 : vector<1024xf32> to vector<1024x1xf32>
    %div3A_238 = arith.constant 3.840000e+02 : f32
    %div3A_239 = vector.broadcast %div3A_238 : f32 to vector<1024x1xf32>
    %div3A_240 = arith.divf %broadcast_in_dim3A_237, %div3A_239 : vector<1024x1xf32>
    %sub3A_241 = vector.broadcast %div3A_240 : vector<1024x1xf32> to vector<1024x384xf32>
    %sub3A_242 = arith.subf %add3A_234, %sub3A_241 : vector<1024x384xf32>
    %integer_pow3A_243 = arith.mulf %sub3A_242, %sub3A_242 : vector<1024x384xf32>
    %reduce_sum3A_244 = arith.constant dense<0.000000e+00> : vector<1024xf32>
    %reduce_sum3A_245 = vector.multi_reduction <add>, %integer_pow3A_243, %reduce_sum3A_244 [1] : vector<1024x384xf32> to vector<1024xf32>
    %broadcast_in_dim3A_246 = vector.shape_cast %reduce_sum3A_245 : vector<1024xf32> to vector<1024x1xf32>
    %div3A_247 = arith.constant 3.840000e+02 : f32
    %div3A_248 = vector.broadcast %div3A_247 : f32 to vector<1024x1xf32>
    %div3A_249 = arith.divf %broadcast_in_dim3A_246, %div3A_248 : vector<1024x1xf32>
    %sub3A_250 = vector.broadcast %div3A_240 : vector<1024x1xf32> to vector<1024x384xf32>
    %sub3A_251 = arith.subf %add3A_234, %sub3A_250 : vector<1024x384xf32>
    %add3A_252 = arith.constant 9.99999997E-7 : f32
    %add3A_253 = vector.broadcast %add3A_252 : f32 to vector<1024x1xf32>
    %add3A_254 = arith.addf %div3A_249, %add3A_253 : vector<1024x1xf32>
    %sqrt3A_255 = math.sqrt %add3A_254 : vector<1024x1xf32>
    %div3A_256 = vector.broadcast %sqrt3A_255 : vector<1024x1xf32> to vector<1024x384xf32>
    %div3A_257 = arith.divf %sub3A_251, %div3A_256 : vector<1024x384xf32>
    %mul3A_258 = vector.broadcast %get3A_1 : vector<1x384xf32> to vector<1024x384xf32>
    %mul3A_259 = arith.mulf %div3A_257, %mul3A_258 : vector<1024x384xf32>
    %add3A_260 = vector.broadcast %get3A_4 : vector<1x384xf32> to vector<1024x384xf32>
    %add3A_261 = arith.addf %mul3A_259, %add3A_260 : vector<1024x384xf32>
    %convert_element_type3A_262 = arith.truncf %add3A_261 : vector<1024x384xf32> to vector<1024x384xbf16>
    %get3A_263 = arith.constant 0 : index
    %get3A_264 = arith.constant 0 : index
    %get3A_265 = vector.load %arg9[%get3A_263, %get3A_264] : memref<384x1536xbf16, #tpu.memory_space<vmem>>, vector<384x1536xbf16>
    %dot_general3A_266 = arith.constant dense<0.000000e+00> : vector<1024x1536xf32>
    %dot_general3A_267 = tpu.matmul %convert_element_type3A_262, %get3A_265, %dot_general3A_266 {dimension_numbers = #tpu.dot_dimension_numbers<[1], [0], [0], [1], [0, 0, 1, 1], [], []>, transpose_lhs_hint = false} : vector<1024x384xbf16>, vector<384x1536xbf16>, vector<1024x1536xf32> -> vector<1024x1536xf32>
    %get3A_268 = arith.constant 0 : index
    %get3A_269 = arith.constant 0 : index
    %get3A_270 = vector.load %arg10[%get3A_268, %get3A_269] : memref<1x1536xf32, #tpu.memory_space<vmem>>, vector<1x1536xf32>
    %add3A_271 = vector.broadcast %get3A_270 : vector<1x1536xf32> to vector<1024x1536xf32>
    %add3A_272 = arith.addf %dot_general3A_267, %add3A_271 : vector<1024x1536xf32>
    %mul3A_273 = arith.constant 5.000000e-01 : f32
    %mul3A_274 = vector.broadcast %mul3A_273 : f32 to vector<1024x1536xf32>
    %mul3A_275 = arith.mulf %add3A_272, %mul3A_274 : vector<1024x1536xf32>
    %mul3A_276 = arith.constant 0.707106769 : f32
    %mul3A_277 = vector.broadcast %mul3A_276 : f32 to vector<1024x1536xf32>
    %mul3A_278 = arith.mulf %add3A_272, %mul3A_277 : vector<1024x1536xf32>
    %erf3A = math.erf %mul3A_278 : vector<1024x1536xf32>
    %add3A_279 = arith.constant 1.000000e+00 : f32
    %add3A_280 = vector.broadcast %add3A_279 : f32 to vector<1024x1536xf32>
    %add3A_281 = arith.addf %add3A_280, %erf3A : vector<1024x1536xf32>
    %mul3A_282 = arith.mulf %mul3A_275, %add3A_281 : vector<1024x1536xf32>
    %convert_element_type3A_283 = arith.truncf %mul3A_282 : vector<1024x1536xf32> to vector<1024x1536xbf16>
    %get3A_284 = arith.constant 0 : index
    %get3A_285 = arith.constant 0 : index
    %get3A_286 = vector.load %arg11[%get3A_284, %get3A_285] : memref<1536x384xbf16, #tpu.memory_space<vmem>>, vector<1536x384xbf16>
    %dot_general3A_287 = arith.constant dense<0.000000e+00> : vector<1024x384xf32>
    %dot_general3A_288 = tpu.matmul %convert_element_type3A_283, %get3A_286, %dot_general3A_287 {dimension_numbers = #tpu.dot_dimension_numbers<[1], [0], [0], [1], [0, 0, 1, 1], [], []>, transpose_lhs_hint = false} : vector<1024x1536xbf16>, vector<1536x384xbf16>, vector<1024x384xf32> -> vector<1024x384xf32>
    %add3A_289 = arith.addf %add3A_234, %dot_general3A_288 : vector<1024x384xf32>
    %get3A_290 = arith.constant 0 : index
    %get3A_291 = arith.constant 0 : index
    %get3A_292 = vector.load %arg12[%get3A_290, %get3A_291] : memref<1x384xf32, #tpu.memory_space<vmem>>, vector<1x384xf32>
    %add3A_293 = vector.broadcast %get3A_292 : vector<1x384xf32> to vector<1024x384xf32>
    %add3A_294 = arith.addf %add3A_289, %add3A_293 : vector<1024x384xf32>
    %convert_element_type3A_295 = arith.truncf %add3A_294 : vector<1024x384xf32> to vector<1024x384xbf16>
    %reshape3A_296 = vector.shape_cast %convert_element_type3A_295 : vector<1024x384xbf16> to vector<2x8x4x4x4x384xbf16>
    %transpose3A_297 = tpu.transpose %reshape3A_296, [2, 0, 3, 1, 4, 5] : vector<2x8x4x4x4x384xbf16> -> vector<4x2x4x8x4x384xbf16>
    %reshape3A_298 = vector.shape_cast %transpose3A_297 : vector<4x2x4x8x4x384xbf16> to vector<1x4x8x32x384xbf16>
    %swap3A = arith.constant 0 : index
    %swap3A_299 = arith.constant 0 : index
    %swap3A_300 = arith.constant 0 : index
    %swap3A_301 = arith.constant 0 : index
    %swap3A_302 = arith.constant 0 : index
    %swap3A_303 = vector.load %arg13[%swap3A, %swap3A_299, %swap3A_300, %swap3A_301, %swap3A_302] : memref<1x4x8x32x384xbf16, #tpu.memory_space<vmem>>, vector<1x4x8x32x384xbf16>
    tpu.vector_store %arg13[%swap3A, %swap3A_299, %swap3A_300, %swap3A_301, %swap3A_302], %reshape3A_298 {strides = array<i32>} : memref<1x4x8x32x384xbf16, #tpu.memory_space<vmem>>, vector<1x4x8x32x384xbf16>,
    return
  }
  func.func @transform_0(%arg0: i32) -> (i32, i32, i32, i32, i32) {
    %jit3A = arith.constant 4 : i32
    %div3A = arith.divsi %arg0, %jit3A : i32
    %sign3A = arith.constant 0 : i32
    %sign3A_0 = arith.cmpi sgt, %arg0, %sign3A : i32
    %sign3A_1 = arith.extui %sign3A_0 : i1 to i32
    %sign3A_2 = arith.constant 0 : i32
    %sign3A_3 = arith.cmpi slt, %arg0, %sign3A_2 : i32
    %sign3A_4 = arith.extui %sign3A_3 : i1 to i32
    %sign3A_5 = arith.subi %sign3A_1, %sign3A_4 : i32
    %sign3A_6 = arith.constant 0 : i32
    %sign3A_7 = arith.cmpi sgt, %jit3A, %sign3A_6 : i32
    %sign3A_8 = arith.extui %sign3A_7 : i1 to i32
    %sign3A_9 = arith.constant 0 : i32
    %sign3A_10 = arith.cmpi slt, %jit3A, %sign3A_9 : i32
    %sign3A_11 = arith.extui %sign3A_10 : i1 to i32
    %sign3A_12 = arith.subi %sign3A_8, %sign3A_11 : i32
    %ne3A = arith.cmpi ne, %sign3A_5, %sign3A_12 : i32
    %rem3A = arith.remsi %arg0, %jit3A : i32
    %ne3A_13 = arith.constant 0 : i32
    %ne3A_14 = arith.cmpi ne, %rem3A, %ne3A_13 : i32
    %and3A = arith.andi %ne3A, %ne3A_14 : i1
    %sub3A = arith.constant 1 : i32
    %sub3A_15 = arith.subi %div3A, %sub3A : i32
    %select_n3A = arith.select %and3A, %sub3A_15, %div3A : i32
    %jit3A_16 = arith.constant 4 : i32
    %eq3A = arith.constant 0 : i32
    %eq3A_17 = arith.cmpi eq, %jit3A_16, %eq3A : i32
    %jit3A_18 = arith.constant 1 : i32
    %select_n3A_19 = arith.select %eq3A_17, %jit3A_18, %jit3A_16 : i32
    %rem3A_20 = arith.remsi %arg0, %select_n3A_19 : i32
    %ne3A_21 = arith.constant 0 : i32
    %ne3A_22 = arith.cmpi ne, %rem3A_20, %ne3A_21 : i32
    %lt3A = arith.constant 0 : i32
    %lt3A_23 = arith.cmpi slt, %rem3A_20, %lt3A : i32
    %lt3A_24 = arith.constant 0 : i32
    %lt3A_25 = arith.cmpi slt, %select_n3A_19, %lt3A_24 : i32
    %ne3A_26 = arith.xori %lt3A_23, %lt3A_25 : i1
    %and3A_27 = arith.andi %ne3A_26, %ne3A_22 : i1
    %add3A = arith.addi %rem3A_20, %select_n3A_19 : i32
    %select_n3A_28 = arith.select %and3A_27, %add3A, %rem3A_20 : i32
    %c0_i32 = arith.constant 0 : i32
    %c0_i32_29 = arith.constant 0 : i32
    %c0_i32_30 = arith.constant 0 : i32
    %c0_i32_31 = arith.constant 0 : i32
    return %c0_i32, %select_n3A, %select_n3A_28, %c0_i32_29, %c0_i32_30 : i32, i32, i32, i32, i32
  }
  func.func @transform_1(%arg0: i32) -> (i32, i32, i32) {
    %c0_i32 = arith.constant 0 : i32
    %c0_i32_0 = arith.constant 0 : i32
    %c0_i32_1 = arith.constant 0 : i32
    return %c0_i32, %arg0, %c0_i32_0 : i32, i32, i32
  }
  func.func @transform_2(%arg0: i32) -> (i32, i32) {
    %c0_i32 = arith.constant 0 : i32
    %c0_i32_0 = arith.constant 0 : i32
    %c0_i32_1 = arith.constant 0 : i32
    return %c0_i32, %c0_i32_0 : i32, i32
  }
  func.func @transform_3(%arg0: i32) -> (i32, i32) {
    %c0_i32 = arith.constant 0 : i32
    %c0_i32_0 = arith.constant 0 : i32
    %c0_i32_1 = arith.constant 0 : i32
    return %c0_i32, %c0_i32_0 : i32, i32
  }
  func.func @transform_4(%arg0: i32) -> (i32, i32) {
    %c0_i32 = arith.constant 0 : i32
    %c0_i32_0 = arith.constant 0 : i32
    %c0_i32_1 = arith.constant 0 : i32
    return %c0_i32, %c0_i32_0 : i32, i32
  }
  func.func @transform_5(%arg0: i32) -> (i32, i32) {
    %c0_i32 = arith.constant 0 : i32
    %c0_i32_0 = arith.constant 0 : i32
    %c0_i32_1 = arith.constant 0 : i32
    return %c0_i32, %c0_i32_0 : i32, i32
  }
  func.func @transform_6(%arg0: i32) -> (i32, i32) {
    %c0_i32 = arith.constant 0 : i32
    %c0_i32_0 = arith.constant 0 : i32
    %c0_i32_1 = arith.constant 0 : i32
    return %c0_i32, %c0_i32_0 : i32, i32
  }
  func.func @transform_7(%arg0: i32) -> (i32, i32) {
    %c0_i32 = arith.constant 0 : i32
    %c0_i32_0 = arith.constant 0 : i32
    %c0_i32_1 = arith.constant 0 : i32
    return %c0_i32, %c0_i32_0 : i32, i32
  }
  func.func @transform_8(%arg0: i32) -> (i32, i32) {
    %c0_i32 = arith.constant 0 : i32
    %c0_i32_0 = arith.constant 0 : i32
    %c0_i32_1 = arith.constant 0 : i32
    return %c0_i32, %c0_i32_0 : i32, i32
  }
  func.func @transform_9(%arg0: i32) -> (i32, i32) {
    %c0_i32 = arith.constant 0 : i32
    %c0_i32_0 = arith.constant 0 : i32
    %c0_i32_1 = arith.constant 0 : i32
    return %c0_i32, %c0_i32_0 : i32, i32
  }
  func.func @transform_10(%arg0: i32) -> (i32, i32) {
    %c0_i32 = arith.constant 0 : i32
    %c0_i32_0 = arith.constant 0 : i32
    %c0_i32_1 = arith.constant 0 : i32
    return %c0_i32, %c0_i32_0 : i32, i32
  }
  func.func @transform_11(%arg0: i32) -> (i32, i32) {
    %c0_i32 = arith.constant 0 : i32
    %c0_i32_0 = arith.constant 0 : i32
    %c0_i32_1 = arith.constant 0 : i32
    return %c0_i32, %c0_i32_0 : i32, i32
  }
  func.func @transform_12(%arg0: i32) -> (i32, i32, i32, i32, i32) {
    %jit3A = arith.constant 4 : i32
    %div3A = arith.divsi %arg0, %jit3A : i32
    %sign3A = arith.constant 0 : i32
    %sign3A_0 = arith.cmpi sgt, %arg0, %sign3A : i32
    %sign3A_1 = arith.extui %sign3A_0 : i1 to i32
    %sign3A_2 = arith.constant 0 : i32
    %sign3A_3 = arith.cmpi slt, %arg0, %sign3A_2 : i32
    %sign3A_4 = arith.extui %sign3A_3 : i1 to i32
    %sign3A_5 = arith.subi %sign3A_1, %sign3A_4 : i32
    %sign3A_6 = arith.constant 0 : i32
    %sign3A_7 = arith.cmpi sgt, %jit3A, %sign3A_6 : i32
    %sign3A_8 = arith.extui %sign3A_7 : i1 to i32
    %sign3A_9 = arith.constant 0 : i32
    %sign3A_10 = arith.cmpi slt, %jit3A, %sign3A_9 : i32
    %sign3A_11 = arith.extui %sign3A_10 : i1 to i32
    %sign3A_12 = arith.subi %sign3A_8, %sign3A_11 : i32
    %ne3A = arith.cmpi ne, %sign3A_5, %sign3A_12 : i32
    %rem3A = arith.remsi %arg0, %jit3A : i32
    %ne3A_13 = arith.constant 0 : i32
    %ne3A_14 = arith.cmpi ne, %rem3A, %ne3A_13 : i32
    %and3A = arith.andi %ne3A, %ne3A_14 : i1
    %sub3A = arith.constant 1 : i32
    %sub3A_15 = arith.subi %div3A, %sub3A : i32
    %select_n3A = arith.select %and3A, %sub3A_15, %div3A : i32
    %jit3A_16 = arith.constant 4 : i32
    %eq3A = arith.constant 0 : i32
    %eq3A_17 = arith.cmpi eq, %jit3A_16, %eq3A : i32
    %jit3A_18 = arith.constant 1 : i32
    %select_n3A_19 = arith.select %eq3A_17, %jit3A_18, %jit3A_16 : i32
    %rem3A_20 = arith.remsi %arg0, %select_n3A_19 : i32
    %ne3A_21 = arith.constant 0 : i32
    %ne3A_22 = arith.cmpi ne, %rem3A_20, %ne3A_21 : i32
    %lt3A = arith.constant 0 : i32
    %lt3A_23 = arith.cmpi slt, %rem3A_20, %lt3A : i32
    %lt3A_24 = arith.constant 0 : i32
    %lt3A_25 = arith.cmpi slt, %select_n3A_19, %lt3A_24 : i32
    %ne3A_26 = arith.xori %lt3A_23, %lt3A_25 : i1
    %and3A_27 = arith.andi %ne3A_26, %ne3A_22 : i1
    %add3A = arith.addi %rem3A_20, %select_n3A_19 : i32
    %select_n3A_28 = arith.select %and3A_27, %add3A, %rem3A_20 : i32
    %c0_i32 = arith.constant 0 : i32
    %c0_i32_29 = arith.constant 0 : i32
    %c0_i32_30 = arith.constant 0 : i32
    %c0_i32_31 = arith.constant 0 : i32
    return %c0_i32, %select_n3A, %select_n3A_28, %c0_i32_29, %c0_i32_30 : i32, i32, i32, i32, i32
  }
}

</mosaic_0001>

<sc_bundles>
// kernel: kernel.5.cloned.1.call-start
scs
__scs_entry_jumppad:
0x0: {  	(pc) =	sbr.rel $0x88, $3  }
0x1: {  	(tag) =	ssettag $0x0;
	lr =	simm.s32 $0x1  }
0x2: {  	[smem:$0x3F89] =	sst lr;
	_ =	strace $0xD0000000  }
0x3: {  	_ = 	snop  }
0x4: {  	_ = 	snop  }
0x5: {  	_ = 	snop  }
0x6: {  	_ = 	snop  }
0x7: {  	_ = 	snop  }
__scs_overlays_trampoline_lowered:
0x8: {  	[smem:$0x3F98] =	sst s0  }
0x9: {  	[smem:$0x3F99] =	sst s1  }
0xa: {  	[smem:$0x3F9A] =	sst s2  }
0xb: {  	[smem:$0x3F9B] =	sst s3  }
0xc: {  	[smem:$0x3F9C] =	sst s4  }
0xd: {  	[smem:$0x3F9D] =	sst s5  }
0xe: {  	[smem:$0x3F9E] =	sst s6  }
0xf: {  	[smem:$0x3F9F] =	sst s7  }
0x10: {  	[smem:$0x3FA0] =	sst s8  }
0x11: {  	[smem:$0x3FA1] =	sst s9;
	s0 =	simm.s32 @!p0 $0x0  }
0x12: {  	s1 =	sld [smem:$0x3F87];
	s0 =	simm.s32 @p0 $0x1  }
0x13: {  	[smem:$0x3FA2] =	sst s0;
	s0 =	simm.s32 @!p1 $0x0  }
0x14: {  	s2 =	sld [smem:$0x3F86];
	s0 =	simm.s32 @p1 $0x1  }
0x15: {  	[smem:$0x3FA3] =	sst s0;
	s0 =	simm.s32 @!p2 $0x0  }
0x16: {  	s3 =	sld [smem:$0x3FDB];
	s0 =	simm.s32 @p2 $0x1  }
0x17: {  	s4 =	simm.s32 $0x1BF5;
	[smem:$0x3FA5] =	sst s0  }
0x18: {  	s0 =	sld [smem:$0x3F88];
	_ =	swait.ge [sflag:s4], $0x0  }
0x19: {  	s7 =	sld [smem:$0x3F89]  }
0x1a: {  	s8 =	sadd.s32 $0xFFFFE003, lr  }
0x1b: {  	s9 =	sadd.s32 $0xFFFFFEF7, lr;
	s5 =	simm.s32 $0xFFFFFFFF;
	p2 =	slt.u32 s8, $0xFFFFF086  }
0x1c: {  	p1 =	slt.u32 s9, $0xF7A;
	s5 =	simm.s32 @!p2 $0x0  }
0x1d: {  	s5 =	simm.s32 @p1 $0x1;
	p0 =	seq.s32 s7, s2  }
0x1e: {  	s7 =	smul.u32 @!p0 $0xF7A, s2;
	p2 =	seq.s32 @!p0 s5, $0x0  }
0x1f: {  	s9 =	smul.u32 $0xF7A, s1;
	s8 =	simm.s32 @!p0 $0x1BF5;
	p2 =	por !p2, p0  }
0x20: {  	[sflag:s8] =	ssyncset.s32 @!p0 $0xFFFFF086;
	s6 =	sadd.s32 @!p0 s3, s7;
	s7 =	simm.s32 @!p0 $0x108  }
0x21: {  	s3 =	sadd.s32 s3, s9;
	s6 =	sadd.s32 @!p0 $0x88, s6;
	s7 =	simm.s32 @p2 $0x1082  }
0x22: {  	[simem:s7], [sflag:s8] =	dma.local @!p0 [hbm:s6], $0xF7A  }
0x23: {  	s9 =	sor.u32 $0xD0000000, s2;
	s6 =	simm.s32 $0x108;
	_ =	swait.ge @!p0 [sflag:s8], $0x0  }
0x24: {  	s3 =	sadd.s32 $0x88, s3;
	s6 =	simm.s32 @!p1 $0x1082;
	[sflag:s4] =	ssyncset.s32 $0xFFFFF086  }
0x25: {  	[simem:s6], [sflag:s4] =	dma.local [hbm:s3], $0xF7A  }
0x26: {  	[smem:$0x3F89] =	sst s1;
	(tag) =	ssettag s2;
	_ =	strace s9  }
0x27: {  	s1 =	sld [smem:$0x3F99]  }
0x28: {  	s2 =	sld [smem:$0x3F9A]  }
0x29: {  	s4 =	sld [smem:$0x3F9C]  }
0x2a: {  	p0 =	seq.s32 s5, $0x0;
	s5 =	sld [smem:$0x3F9D]  }
0x2b: {  	s6 =	sld [smem:$0x3F9E]  }
0x2c: {  	s7 =	sld [smem:$0x3F9F]  }
0x2d: {  	s3 =	simm.s32 $0x108;
	s8 =	sld [smem:$0x3FA0]  }
0x2e: {  	s3 =	simm.s32 @!p0 $0x1082;
	s9 =	sld [smem:$0x3FA1]  }
0x2f: {  	lr =	sadd.s32 s0, s3;
	s0 =	sld [smem:$0x3F98]  }
0x30: {  	s3 =	sld [smem:$0x3F9B]  }
0x31: {  	[smem:$0x3FA4] =	sst s10  }
0x32: {  	s10 =	sld [smem:$0x3FA2];
	_ =	sdelay $0x3  }
0x33: {  	p0 =	seq.s32 s10, $0x1;
	s10 =	sld [smem:$0x3FA4];
	_ =	sdelay $0x3  }
0x34: {  	[smem:$0x3FA4] =	sst s10  }
0x35: {  	s10 =	sld [smem:$0x3FA3];
	_ =	sdelay $0x3  }
0x36: {  	p1 =	seq.s32 s10, $0x1;
	s10 =	sld [smem:$0x3FA4];
	_ =	sdelay $0x3  }
0x37: {  	[smem:$0x3FA4] =	sst s10  }
0x38: {  	s10 =	sld [smem:$0x3FA5]  }
0x39: {  	_ = 	snop;
	(pc) =	sbr.ind lr, $3  }
0x3a: {  	_ = 	snop  }
0x3b: {  	_ = 	snop  }
0x3c: {  	p2 =	seq.s32 s10, $0x1;
	s10 =	sld [smem:$0x3FA4]  }
0x3d: {  	_ =	shalt  }
0x3e: {  	_ =	shalt  }
0x3f: {  	_ =	shalt  }
0x40: {  	_ =	shalt  }
0x41: {  	_ =	shalt  }
0x42: {  	_ =	shalt  }
0x43: {  	_ =	shalt  }
0x44: {  	_ =	shalt  }
0x45: {  	_ =	shalt  }
0x46: {  	_ =	shalt  }
0x47: {  	_ =	shalt  }
0x48: {  	_ =	shalt  }
0x49: {  	_ =	shalt  }
0x4a: {  	_ =	shalt  }
0x4b: {  	_ =	shalt  }
0x4c: {  	_ =	shalt  }
0x4d: {  	_ =	shalt  }
0x4e: {  	_ =	shalt  }
0x4f: {  	_ =	shalt  }
0x50: {  	_ =	shalt  }
0x51: {  	_ =	shalt  }
0x52: {  	_ =	shalt  }
0x53: {  	_ =	shalt  }
0x54: {  	_ =	shalt  }
0x55: {  	_ =	shalt  }
0x56: {  	_ =	shalt  }
0x57: {  	_ =	shalt  }
0x58: {  	_ =	shalt  }
0x59: {  	_ =	shalt  }
0x5a: {  	_ =	shalt  }
0x5b: {  	_ =	shalt  }
0x5c: {  	_ =	shalt  }
0x5d: {  	_ =	shalt  }
0x5e: {  	_ =	shalt  }
0x5f: {  	_ =	shalt  }
0x60: {  	_ =	shalt  }
0x61: {  	_ =	shalt  }
0x62: {  	_ =	shalt  }
0x63: {  	_ =	shalt  }
0x64: {  	_ =	shalt  }
0x65: {  	_ =	shalt  }
0x66: {  	_ =	shalt  }
0x67: {  	_ =	shalt  }
0x68: {  	_ =	shalt  }
0x69: {  	_ =	shalt  }
0x6a: {  	_ =	shalt  }
0x6b: {  	_ =	shalt  }
0x6c: {  	_ =	shalt  }
0x6d: {  	_ =	shalt  }
0x6e: {  	_ =	shalt  }
0x6f: {  	_ =	shalt  }
0x70: {  	_ =	shalt  }
0x71: {  	_ =	shalt  }
0x72: {  	_ =	shalt  }
0x73: {  	_ =	shalt  }
0x74: {  	_ =	shalt  }
0x75: {  	_ =	shalt  }
0x76: {  	_ =	shalt  }
0x77: {  	_ =	shalt  }
0x78: {  	_ =	shalt  }
0x79: {  	_ =	shalt  }
0x7a: {  	_ =	shalt  }
0x7b: {  	_ =	shalt  }
0x7c: {  	_ =	shalt  }
0x7d: {  	_ =	shalt  }
0x7e: {  	_ =	shalt  }
0x7f: {  	_ =	shalt  }
0x80: {  	_ =	shalt  }
0x81: {  	_ =	shalt  }
0x82: {  	_ =	shalt  }
0x83: {  	_ =	shalt  }
0x84: {  	_ =	shalt  }
0x85: {  	_ =	shalt  }
0x86: {  	_ =	shalt  }
0x87: {  	_ =	shalt  }
.Lfunc_end0:
.L_simem_size_0:
called_computation_lowered:
.L_overlay_start_0:
0x88: {  	s2 =	sld [smem:$0x3FD9]  }
0x89: {  	s3 =	sld [smem:$0x3FFE];
	_ =	sdelay $0x1  }
0x8a: {  	s1 =	srdreg.scid  }
0x8b: {  	s0 =	sand.u32 $0x1, s1  }
0x8c: {  	s14 =	sshll.u32 s0, $0xA;
	s2 =	sadd.s32 s3, s2  }
0x8d: {  	s2 =	sadd.s32 s2, s14  }
0x8e: {  	[smem:$0x3FB0] =	sst s2  }
0x8f: {  	_ = 	snop  }
0x90: {  	s2 =	sld [smem:$0x3FD0];
	_ =	sdelay $0x2  }
0x91: {  	s15 =	simm.s32 $0xA;
	s4 =	simm.s32 $0x10  }
0x92: {  	[smem:s4], [sflag:s15] =	dma.local [hbm:s2], $0x1  }
0x93: {  	_ =	swait.eq [sflag:s15], $0x1  }
0x94: {  	[sflag:s15] =	ssyncset.done $0x0  }
0x95: {  	[sflag:s15] =	ssyncadd.s32 $0xFFFFFFFF  }
0x96: {  	s16 =	sld [smem:$0x11];
	(tm) =	ssettm $0x1  }
0x97: {  	s17 =	sld [smem:$0x3FFB];
	_ =	sdelay $0x3  }
0x98: {  	_ =	strace s17  }
0x99: {  	s3 =	sld [smem:$0x3FFC];
	_ =	sdelay $0x3  }
0x9a: {  	_ =	strace s3  }
0x9b: {  	s3 =	sld [smem:$0x3FFD];
	_ =	sdelay $0x3  }
0x9c: {  	_ =	strace s3  }
0x9d: {  	_ =	strace $0x8FFFFFFF  }
0x9e: {  	s18 =	sld [smem:$0x3FDB];
	_ =	sdelay $0x1  }
0x9f: {  	s19 =	simm.s32 $_scs_section_size  }
0xa0: {  	s5 =	simm.s32 $_size__tile_overlayer_lowered;
	s6 =	simm.s32 $_tile_overlayer_lowered  }
0xa1: {  	s22 =	simm.s32 $0x1BFF;
	s21 =	sshll.u32 s6, $0x1;
	s3 =	sadd.s32 s19, s18  }
0xa2: {  	s7 =	simm.s32 $0x0;
	s20 =	sshll.u32 s5, $0x1;
	s5 =	sadd.s32 s21, s3  }
0xa3: {  	[timem:s7], [sflag:s22] =	dma.local [hbm:s5], s20  }
0xa4: {  	_ =	swait.ge [sflag:s22], s20  }
0xa5: {  	s4 =	ssub.s32 $0x0, s20;
	[sflag:s22] =	ssyncset.done $0x0  }
0xa6: {  	[sflag:s22] =	ssyncadd.s32 s4;
	_ =	sdelay $0x1  }
0xa7: {  	s23 =	simm.s32 $0x1B8B  }
0xa8: {  	_ =	swait.ge [sflag:s23], $0x1  }
0xa9: {  	[sflag:s23] =	ssyncset.done $0x0  }
0xaa: {  	s25 =	simm.s32 $0x1B8E;
	s24 =	sld [smem:$0x3FFE];
	[sflag:s23] =	ssyncadd.s32 $0xFFFFFFFF  }
0xab: {  	s26 =	simm.s32 $execute0_lowered;
	[smem:$0x3FD2] =	sst s25  }
0xac: {  	s5 =	sshll.u32 s26, $0x1;
	_ =	strace $0x80000046;
	[dreg:$0x1] =	wrdreg $0xFFFFFFFF  }
0xad: {  	s28 =	simm.s32 $_size_execute0_lowered;
	s3 =	sadd.s32 s3, s5;
	[dreg:$0x0] =	wrdreg $0x0  }
0xae: {  	s5 =	sshll.u32 s28, $0x1;
	[dreg:$0x2] =	wrdreg s3  }
0xaf: {  	[dreg:$0x3] =	wrdreg s5  }
0xb0: {  	[dreg:$0x4] =	wrdreg $0xC0  }
0xb1: {  	_ =	task [dreg:s7], $0x5FFFF  }
0xb2: {  	[dreg:$0x1] =	wrdreg $0xFFFFFFFF  }
0xb3: {  	[dreg:$0x0] =	wrdreg $0x60  }
0xb4: {  	[dreg:$0x2] =	wrdreg s16  }
0xb5: {  	[dreg:$0x3] =	wrdreg s24  }
0xb6: {  	[dreg:$0x4] =	wrdreg $0x9  }
0xb7: {  	_ =	task.clear_ibuf [dreg:s7], $0x5FFFF;
	_ =	strace $0x90000046  }
0xb8: {  	s29 =	simm.s32 $0x9;
	_ =	strace $0x80000048  }
0xb9: {  	_ =	swait.ge [sflag:s29], $0x1  }
0xba: {  	[sflag:s29] =	ssyncadd.s32 $0xFFFFFFFF  }
0xbb: {  	_ =	strace $0x90000048  }
0xbc: {  	_ =	sfence  }
0xbd: {  	s30 =	sld [smem:$0x0];
	_ =	sdelay $0x2  }
0xbe: {  	s31 =	sshll.u32 s1, $0xD;
	s1 =	sshrl.u32 s1, $0x2  }
0xbf: {  	s3 =	sand.u32 $0x4000, s31;
	s1 =	sadd.s32 s1, s30  }
0xc0: {  	s0 =	sor.u32 s3, s0;
	s1 =	sshll.u32 s1, $0x11  }
0xc1: {  	s0 =	sor.u32 s1, s0  }
0xc2: {  	s0 =	sadd.s32 $0x8F2B, s0  }
0xc3: {  	[sflag:s0] =	ssyncadd.remote.s32 $0x1  }
0xc4: {  	_ =	sfence.sel $0xFFFF  }
0xc5: {  	[dreg:$0x0] =	wrdreg $0xFFFFFFFF;
	(pc) =	sbr.abs _section_cstart, $3  }
0xc6: {  	[dreg:$0x1] =	wrdreg $0xFFFFFFFF  }
0xc7: {  	_ =	task.clear_ibuf [dreg:s7], $0x2FFFF;
	_ =	strace $0x9FFFFFFF  }
0xc8: {  	(tm) =	ssettm $0x7FFFFFFF  }
0xc9: {  	_ =	shalt  }
tec
execute0_lowered:
.L_overlay_start_1:
0x0: {  	(tag) =	ssettag $0x1  }
0x1: {  	s1 =	srdreg.scid;
	s2 =	rddreg [dreg:$0x0]  }
0x2: {  	s0 =	stileid.u32;
	s5 =	rddreg [dreg:$0x1]  }
0x3: {  	s3 =	simm.s32 $0x0;
	s9 =	simm.s32 $0x80;
	s10 =	simm.s32 $0x880  }
0x4: {  	s11 =	simm.s32 $0xC80;
	s12 =	simm.s32 $0x1480;
	s13 =	simm.s32 $0x1880  }
0x5: {  	s14 =	simm.s32 $0x2080;
	s15 =	simm.s32 $0x2480;
	s16 =	simm.s32 $0x2C80  }
0x6: {  	s17 =	simm.s32 $0x3080;
	s18 =	simm.s32 $0x3880;
	s19 =	simm.s32 $0x3C80  }
0x7: {  	s20 =	simm.s32 $0x4480;
	s21 =	simm.s32 $0x4880;
	s22 =	simm.s32 $0x5080  }
0x8: {  	s23 =	simm.s32 $0x5480;
	s24 =	simm.s32 $0x5C80;
	s4 =	sand.u32 $0x1, s1  }
0x9: {  	s25 =	simm.s32 $0x1;
	s6 =	sshll.u32 s0, $0x4;
	s7 =	sshll.u32 s4, $0x3  }
0xa: {  	s1 =	rddreg [dreg:$0x2];
	s4 =	ssub.s32 $0x2, s4;
	s6 =	sor.u32 s7, s6  }
0xb: {  	[smem:$0x7FF] =	sst s3;
	s8 =	sshrl.u32 s4, $0x1;
	s7 =	smul.u32 $0x180, s6  }
0xc: {  	v2 =	vlaneseq.u32;
	_ =	strace $0x80000047;
	s6 =	sadd.s32 s6, s5;
	s8 =	ssub.s32 s4, s8  }
0xd: {  	vm0 =	vmmov $0xffff;
	vm1 =	vmmov $0xff;
	v1 =	vshrl.u32 v2, $0x3;
	s4 =	sadd.s32 $0x2800, s6;
	s7 =	sadd.s32 s7, s5;
	s5 =	sadd.s32 $0x100, s2  }
0xe: {  	v0 =	vand.u32 $0x7, v2;
	v2 =	vor.u32 $0x8, v2;
	v1 =	vmul.u32 $0x8, v1;
	s6 =	sadd.s32 $0x2A00, s7;
	s7 =	smax.u32 s8, $0x1;
	s8 =	simm.s32 $0x2  }
.LBB2_1:
0xf: {  	[tilespmem:s3], [sflag:$0x2] =	stream.linear.gather [hbm4b:s4+s3], $0x40, $0x38;
	[tilespmem:$0x6080] =	vst v63  }
0x10: {  	_ =	swait.ge [sflag:s8], $0x40  }
0x11: {  	[sflag:s8] =	ssyncset.done $0x0  }
0x12: {  	[sflag:s8] =	ssyncadd.s32 $0xFFFFFFC0  }
0x13: {  	v3 =	vld [tilespmem:$0x0];
	_ =	sdelay $0x4  }
0x14: {  	v4 =	vshrl.u32 v3, $0x3  }
0x15: {  	v4 =	vmul.u32 $0x18, v4  }
0x16: {  	v3 =	vand.u32 $0x7, v3  }
0x17: {  	v3 =	vor.u32 v3, v4  }
0x18: {  	v4 =	vperm.xlane v3, v0;
	_ =	sdelay $0x1  }
0x19: {  	v4 =	vadd.s32 v1, v4;
	_ =	sdelay $0x1  }
0x1a: {  	v3 =	vperm.xlane v3, v2;
	_ =	sdelay $0x1  }
0x1b: {  	v3 =	vadd.s32 v1, v3  }
0x1c: {  	[tilespmem:s9], [sflag:$0x1] =	stream.indirect_vreg.gather [hbm4b:s2+s3], $0x80, v4, vm0, $0xb8;
	[tilespmem:$0x6080] =	vst v63  }
0x1d: {  	_ = 	snop  }
0x1e: {  	[tilespmem:s10], [sflag:$0x1] =	stream.indirect_vreg.gather [hbm4b:s5+s3], $0x80, v4, vm1, $0xb8;
	[tilespmem:$0x6080] =	vst v63  }
0x1f: {  	_ = 	snop  }
0x20: {  	[tilespmem:s11], [sflag:$0x1] =	stream.indirect_vreg.gather [hbm4b:s2+s3], $0x80, v3, vm0, $0xb8;
	[tilespmem:$0x6080] =	vst v63  }
0x21: {  	_ = 	snop  }
0x22: {  	[tilespmem:s12], [sflag:$0x1] =	stream.indirect_vreg.gather [hbm4b:s5+s3], $0x80, v3, vm1, $0xb8;
	[tilespmem:$0x6080] =	vst v63  }
0x23: {  	v3 =	vld [tilespmem:$0x10];
	_ =	sdelay $0x4  }
0x24: {  	v61 =	vshrl.u32 v3, $0x3  }
0x25: {  	v4 =	vmul.u32 $0x18, v61  }
0x26: {  	v3 =	vand.u32 $0x7, v3  }
0x27: {  	v3 =	vor.u32 v3, v4  }
0x28: {  	v4 =	vperm.xlane v3, v0;
	_ =	sdelay $0x1  }
0x29: {  	v4 =	vadd.s32 v1, v4;
	_ =	sdelay $0x1  }
0x2a: {  	v3 =	vperm.xlane v3, v2;
	_ =	sdelay $0x1  }
0x2b: {  	v3 =	vadd.s32 v1, v3  }
0x2c: {  	[tilespmem:s13], [sflag:$0x1] =	stream.indirect_vreg.gather [hbm4b:s2+s3], $0x80, v4, vm0, $0xb8;
	[tilespmem:$0x6080] =	vst v63  }
0x2d: {  	_ = 	snop  }
0x2e: {  	[tilespmem:s14], [sflag:$0x1] =	stream.indirect_vreg.gather [hbm4b:s5+s3], $0x80, v4, vm1, $0xb8;
	[tilespmem:$0x6080] =	vst v63  }
0x2f: {  	_ = 	snop  }
0x30: {  	[tilespmem:s15], [sflag:$0x1] =	stream.indirect_vreg.gather [hbm4b:s2+s3], $0x80, v3, vm0, $0xb8;
	[tilespmem:$0x6080] =	vst v63  }
0x31: {  	_ = 	snop  }
0x32: {  	[tilespmem:s16], [sflag:$0x1] =	stream.indirect_vreg.gather [hbm4b:s5+s3], $0x80, v3, vm1, $0xb8;
	[tilespmem:$0x6080] =	vst v63  }
0x33: {  	v3 =	vld [tilespmem:$0x20];
	_ =	sdelay $0x4  }
0x34: {  	v62 =	vshrl.u32 v3, $0x3  }
0x35: {  	v4 =	vmul.u32 $0x18, v62  }
0x36: {  	v3 =	vand.u32 $0x7, v3  }
0x37: {  	v3 =	vor.u32 v3, v4  }
0x38: {  	v4 =	vperm.xlane v3, v0;
	_ =	sdelay $0x1  }
0x39: {  	v4 =	vadd.s32 v1, v4;
	_ =	sdelay $0x1  }
0x3a: {  	v3 =	vperm.xlane v3, v2;
	_ =	sdelay $0x1  }
0x3b: {  	v3 =	vadd.s32 v1, v3  }
0x3c: {  	[tilespmem:s17], [sflag:$0x1] =	stream.indirect_vreg.gather [hbm4b:s2+s3], $0x80, v4, vm0, $0xb8;
	[tilespmem:$0x6080] =	vst v63  }
0x3d: {  	_ = 	snop  }
0x3e: {  	[tilespmem:s18], [sflag:$0x1] =	stream.indirect_vreg.gather [hbm4b:s5+s3], $0x80, v4, vm1, $0xb8;
	[tilespmem:$0x6080] =	vst v63  }
0x3f: {  	_ = 	snop  }
0x40: {  	[tilespmem:s19], [sflag:$0x1] =	stream.indirect_vreg.gather [hbm4b:s2+s3], $0x80, v3, vm0, $0xb8;
	[tilespmem:$0x6080] =	vst v63  }
0x41: {  	_ = 	snop  }
0x42: {  	[tilespmem:s20], [sflag:$0x1] =	stream.indirect_vreg.gather [hbm4b:s5+s3], $0x80, v3, vm1, $0xb8;
	[tilespmem:$0x6080] =	vst v63  }
0x43: {  	v3 =	vld [tilespmem:$0x30];
	_ =	sdelay $0x4  }
0x44: {  	v63 =	vshrl.u32 v3, $0x3  }
0x45: {  	v4 =	vmul.u32 $0x18, v63  }
0x46: {  	v3 =	vand.u32 $0x7, v3  }
0x47: {  	v3 =	vor.u32 v3, v4  }
0x48: {  	v4 =	vperm.xlane v3, v0;
	_ =	sdelay $0x1  }
0x49: {  	v4 =	vadd.s32 v1, v4;
	_ =	sdelay $0x1  }
0x4a: {  	v3 =	vperm.xlane v3, v2;
	_ =	sdelay $0x1  }
0x4b: {  	v3 =	vadd.s32 v1, v3  }
0x4c: {  	[tilespmem:s21], [sflag:$0x1] =	stream.indirect_vreg.gather [hbm4b:s2+s3], $0x80, v4, vm0, $0xb8;
	[tilespmem:$0x6080] =	vst v63  }
0x4d: {  	_ = 	snop  }
0x4e: {  	[tilespmem:s22], [sflag:$0x1] =	stream.indirect_vreg.gather [hbm4b:s5+s3], $0x80, v4, vm1, $0xb8;
	[tilespmem:$0x6080] =	vst v63  }
0x4f: {  	_ = 	snop  }
0x50: {  	[tilespmem:s23], [sflag:$0x1] =	stream.indirect_vreg.gather [hbm4b:s2+s3], $0x80, v3, vm0, $0xb8;
	[tilespmem:$0x6080] =	vst v63  }
0x51: {  	_ = 	snop  }
0x52: {  	[tilespmem:s24], [sflag:$0x1] =	stream.indirect_vreg.gather [hbm4b:s5+s3], $0x80, v3, vm1, $0xb8;
	[tilespmem:$0x6080] =	vst v63  }
0x53: {  	_ =	swait.ge [sflag:s25], $0x6000  }
0x54: {  	p0 =	sne.s32 s7, $0x1;
	[sflag:s25] =	ssyncset.done $0x0  }
.Ltmp0:
0x55: {  	[sflag:s25] =	ssyncadd.s32 $0xFFFFA000;
	(pc) =	sbr.rel @p0 .LBB2_1-.Ltmp0, $4  }
0x56: {  	[hbm4b:s6+s3] =	stream.linear.scatter [tilespmem:s9], [sflag:$0x2], $0x6000, $0x38;
	[tilespmem:$0x6080] =	vst v63  }
0x57: {  	_ =	swait.ge [sflag:s8], $0x6000  }
0x58: {  	[sflag:s8] =	ssyncset.done $0x0  }
0x59: {  	s7 =	sadd.s32 $0xFFFFFFFF, s7;
	[sflag:s8] =	ssyncadd.s32 $0xFFFFA000  }
0x5a: {  	_ =	sfence.sel $0x180000  }
0x5b: {  	[bflag:$0x0] =	sbarrier.arrive $0xFFFF  }
0x5c: {  	p0 =	sne.s32 s0, $0x0;
	_ =	strace $0x90000047  }
0x5d: {  	s0 =	sadd.s32 @!p0 $0x100000, s1;
	[bflag:$0x2] =	sbarrier.arrive $0xFFFF  }
0x5e: {  	[sflag:s0] =	ssyncadd.tile.s32 @!p0 $0x1;
	_ =	shalt  }
.Lfunc_end2:
_tile_overlayer_lowered:
.L_overlay_start_2:
0x5f: {  	(tag) =	ssettag $0x2  }
0x60: {  	s0 =	rddreg [dreg:$0x0];
	s2 =	stileid.u32  }
0x61: {  	s1 =	rddreg [dreg:$0x1];
	p0 =	sne.s32 s2, $0x0  }
0x62: {  	s3 =	rddreg [dreg:$0x2];
	[bflag:$0x3] =	sbarrier.arrive $0xFFFF;
	s2 =	simm.s32 @!p0 $0x1C02  }
0x63: {  	[timem:s3], [sflag:s2] =	dma.local @!p0 [hbm:s0], s1  }
0x64: {  	s0 =	simm.s32 @!p0 $0x2  }
0x65: {  	_ =	swait.ge @!p0 [sflag:s0], s1  }
0x66: {  	s1 =	ssub.s32 @!p0 $0x0, s1;
	[sflag:s0] =	ssyncset.done @!p0 $0x0  }
0x67: {  	[sflag:s0] =	ssyncadd.s32 @!p0 s1  }
0x68: {  	[bflag:$0x3] =	sbarrier.arrive $0xFFFF  }
0x69: {  	_ =	shalt  }

</sc_bundles>
